<compile_context>
chip_gen: v7x
topology: tpu7x:2x2x1
jax: 0.10.2.dev20260603
libtpu: 0.0.44.dev20260713+nightly
codegen_flags: <defaults>
</compile_context>

<pallas_src>
import jax
import jax.numpy as jnp
from jax import lax
from jax.experimental import pallas as pl
from jax.experimental.pallas import tpu as pltpu
from jax.experimental.pallas import tpu_sc as plsc

_DEG = 32


def _oddeven_merge(lo, n, r):
    m = r * 2
    if m < n:
        yield from _oddeven_merge(lo, n, m)
        yield from _oddeven_merge(lo + r, n, m)
        for i in range(lo + r, lo + n - r, m):
            yield (i, i + r)
    else:
        yield (lo, lo + r)


def _oddeven_merge_sort(lo, hi):
    if (hi - lo) >= 1:
        mid = lo + ((hi - lo) // 2)
        yield from _oddeven_merge_sort(lo, mid)
        yield from _oddeven_merge_sort(mid + 1, hi)
        yield from _oddeven_merge(lo, hi - lo + 1, 1)


_SORT16 = list(_oddeven_merge_sort(0, _DEG // 2 - 1))

_MM_BLOCK = 2048
_MED_BLOCK = 400
_GW = 80


def _matmul_body(x_ref, w_ref, o_ref):
    o_ref[...] = jax.lax.dot_general(
        x_ref[...].astype(jnp.bfloat16), w_ref[...].astype(jnp.bfloat16),
        (((1,), (1,)), ((), ())),
        preferred_element_type=jnp.float32)


def _apply_net(v):
    h2 = _DEG // 2
    for (i, j) in _SORT16:
        a, b = v[i], v[j]
        v[i] = jnp.minimum(a, b)
        v[j] = jnp.maximum(a, b)
    for (i, j) in _SORT16:
        a, b = v[h2 + i], v[h2 + j]
        v[h2 + i] = jnp.minimum(a, b)
        v[h2 + j] = jnp.maximum(a, b)
    t = [jnp.minimum(v[k], v[_DEG - 1 - k]) for k in range(h2)]
    while len(t) > 1:
        t = [jnp.maximum(t[2 * i], t[2 * i + 1]) for i in range(len(t) // 2)]
    return t[0]


def _median_body(g_ref, o_ref):
    def chunk(c, carry):
        sl = pl.ds(c * 16, 16)
        v = [g_ref[k, sl, :].astype(jnp.bfloat16) for k in range(_DEG)]
        o_ref[sl, :] = _apply_net(v).astype(jnp.float32)
        return carry

    jax.lax.fori_loop(0, _MED_BLOCK // 16, chunk, 0)


def _sc_gather(h, idx2d):
    nwork, per = idx2d.shape
    d = h.shape[1]
    nwin = per // _GW
    sstage = h.shape[0] // 16
    mesh = plsc.VectorSubcoreMesh(core_axis_name="c", subcore_axis_name="s")

    @pl.kernel(
        out_type=jax.ShapeDtypeStruct((nwork * per, d), h.dtype),
        mesh=mesh,
        scratch_types=[
            pltpu.VMEM_SHARED((h.shape[0], d), h.dtype),
            pltpu.VMEM((per,), jnp.int32),
            pltpu.VMEM((2, _GW, d), h.dtype),
            pltpu.SemaphoreType.DMA,
            pltpu.SemaphoreType.DMA,
            pltpu.SemaphoreType.DMA,
        ],
    )
    def gather_kernel(h_hbm, i_hbm, o_hbm, h_spm, idx_v, rows_v,
                      sem_st, gsem_a, gsem_b):
        cc = lax.axis_index("c")
        ss = lax.axis_index("s")
        wid = cc * 16 + ss
        base = wid * per

        st = pl.ds(ss * sstage, sstage)
        pltpu.async_copy(h_hbm.at[st], h_spm.at[st], sem_st).wait()
        plsc.subcore_barrier()
        pltpu.async_copy(i_hbm.at[wid], idx_v, sem_st).wait()

        def g_src(w):
            return h_spm.at[idx_v.at[pl.ds(w * _GW, _GW)]]

        pltpu.async_copy(g_src(0), rows_v.at[0], gsem_a)

        @pl.loop(0, nwin - (nwin % 2), step=2)
        def _(w):
            pltpu.make_async_copy(g_src(w), rows_v.at[0], gsem_a).wait()

            pltpu.async_copy(g_src(w + 1), rows_v.at[1], gsem_b)
            pltpu.sync_copy(rows_v.at[0], o_hbm.at[pl.ds(base + w * _GW, _GW)])

            pltpu.make_async_copy(g_src(w + 1), rows_v.at[1], gsem_b).wait()

            @pl.when(w + 2 < nwin)
            def _():
                pltpu.async_copy(g_src(w + 2), rows_v.at[0], gsem_a)

            pltpu.sync_copy(rows_v.at[1],
                            o_hbm.at[pl.ds(base + (w + 1) * _GW, _GW)])

        if nwin % 2:
            w_last = nwin - 1
            pltpu.make_async_copy(g_src(w_last), rows_v.at[0], gsem_a).wait()
            pltpu.sync_copy(rows_v.at[0],
                            o_hbm.at[pl.ds(base + w_last * _GW, _GW)])

    return gather_kernel(h, idx2d)


_C = 1


def kernel(x, nbrs, W):
    n, d_in = x.shape
    deg = nbrs.shape[1]
    d_out = W.shape[0]
    per = n // _C

    npad = ((n + 2047) // 2048) * 2048

    h = pl.pallas_call(
        _matmul_body,
        grid=(npad // _MM_BLOCK,),
        in_specs=[
            pl.BlockSpec((_MM_BLOCK, d_in), lambda i: (i, 0)),
            pl.BlockSpec((d_out, d_in), lambda i: (0, 0)),
        ],
        out_specs=pl.BlockSpec((_MM_BLOCK, d_out), lambda i: (i, 0)),
        out_shape=jax.ShapeDtypeStruct((npad, d_out), jnp.float32),
        compiler_params=pltpu.CompilerParams(
            dimension_semantics=("parallel",)),
    )(x, W)

    idx_t = nbrs.T
    outs = []
    for c in range(_C):
        idx_c = idx_t[:, c * per:(c + 1) * per]
        g = _sc_gather(h, idx_c)
        g3 = g.reshape(deg, per, d_out)
        outs.append(pl.pallas_call(
            _median_body,
            grid=(per // _MED_BLOCK,),
            in_specs=[pl.BlockSpec((deg, _MED_BLOCK, d_out),
                                   lambda i: (0, i, 0))],
            out_specs=pl.BlockSpec((_MED_BLOCK, d_out), lambda i: (i, 0)),
            out_shape=jax.ShapeDtypeStruct((per, d_out), jnp.float32),
            compiler_params=pltpu.CompilerParams(
                dimension_semantics=("parallel",)),
        )(g3))
    return outs[0] if _C == 1 else jnp.concatenate(outs, axis=0)

# --- scband reference (transcript-rebuilt; emitter-appended) ---
"""Pipeline reference for scband-median-convolution-65807488909796 (READ-ONLY COPY).

The authoritative reference and input builder live on the scoring server;
editing this copy changes nothing except your own understanding.
"""

import jax, jax.numpy as jnp
import numpy as np

N = 10000
DEG = 32
D_IN = 128
D_OUT = 128


def setup_inputs(seed: int = 0) -> dict:
    key = jax.random.key(seed)
    k1, k2, k3 = jax.random.split(key, 3)
    x = jax.random.normal(k1, (N, D_IN), dtype=jnp.float32)
    nbrs = jax.random.randint(k2, (N, DEG), 0, N, dtype=jnp.int32)
    # nn.Linear(in_channels, out_channels, bias=False) weight: [out, in], kaiming-uniform-ish init
    bound = 1.0 / np.sqrt(D_IN)
    W = jax.random.uniform(k3, (D_OUT, D_IN), dtype=jnp.float32, minval=-bound, maxval=bound)
    return {"x": x, "nbrs": nbrs, "W": W}


def reference(x, nbrs, W):
    # h = self.w(x)  -> linear, no bias
    h = x @ W.T  # [N, D_OUT]
    # for each node: gather neighbor features and take torch-style median over neighbors.
    # torch.median on n elements returns the element at sorted index (n-1)//2 (lower median),
    # so we sort along the neighbor axis and pick that index (NOT the averaging jnp.median).
    gathered = jnp.take(h, nbrs, axis=0)  # [N, DEG, D_OUT]
    s = jnp.sort(gathered, axis=1)
    med_idx = (DEG - 1) // 2
    out = s[:, med_idx, :]  # [N, D_OUT]
    return out

if __name__ == "__main__":
    import jax
    _d = setup_inputs()
    print(jax.jit(kernel)(*tuple(_d.values())))

</pallas_src>

<mosaic_0001>
#map = affine_map<(d0, d1) -> (0, 0)>
module attributes {stable_mosaic.version = 14 : i64} {
  func.func @gather_kernel(%arg0: i32, %arg1: i32, %arg2: memref<10240x128xf32, #tpu.memory_space<hbm>>, %arg3: memref<32x10000xi32, #tpu.memory_space<hbm>>, %arg4: memref<320000x128xf32, #tpu.memory_space<hbm>>, %arg5: memref<10240x128xf32, #tpu.memory_space<vmem_shared>>, %arg6: memref<10000xi32, #tpu.memory_space<vmem>>, %arg7: memref<2x80x128xf32, #tpu.memory_space<vmem>>, %arg8: memref<!tpu.dma_semaphore, #tpu.memory_space<semaphore_mem>>, %arg9: memref<!tpu.dma_semaphore, #tpu.memory_space<semaphore_mem>>, %arg10: memref<!tpu.dma_semaphore, #tpu.memory_space<semaphore_mem>>) attributes {dimension_semantics = [#tpu.dimension_semantics<core_parallel>, #tpu.dimension_semantics<subcore_parallel>], iteration_bounds = array<i64: 2, 16>, scalar_prefetch = 0 : i64, scratch_operands = 6 : i64, tpu.core_type = #tpu.core_type<sc_vector_subcore>, window_params = [{transform_indices = #map}, {transform_indices = #map}, {transform_indices = #map}]} {
    %mul3A = arith.constant 16 : i32
    %mul3A_0 = arith.muli %arg0, %mul3A : i32
    %add3A = arith.addi %mul3A_0, %arg1 : i32
    %mul3A_1 = arith.constant 10000 : i32
    %mul3A_2 = arith.muli %add3A, %mul3A_1 : i32
    %mul3A_3 = arith.constant 640 : i32
    %mul3A_4 = arith.muli %arg1, %mul3A_3 : i32
    %dma_start3A = arith.constant 0 : i32
    %dma_start3A_5 = tpu.memref_slice %arg5[%mul3A_4, %dma_start3A] : memref<10240x128xf32, #tpu.memory_space<vmem_shared>> -> memref<640x128xf32, #tpu.memory_space<vmem_shared>>
    %dma_start3A_6 = arith.constant 0 : i32
    %dma_start3A_7 = tpu.memref_slice %arg2[%mul3A_4, %dma_start3A_6] : memref<10240x128xf32, #tpu.memory_space<hbm>> -> memref<640x128xf32, #tpu.memory_space<hbm>>
    tpu.enqueue_dma source(%dma_start3A_7 : memref<640x128xf32, #tpu.memory_space<hbm>>) target(%dma_start3A_5 : memref<640x128xf32, #tpu.memory_space<vmem_shared>>) target_semaphore(%arg8 : memref<!tpu.dma_semaphore, #tpu.memory_space<semaphore_mem>>)
    %dma_wait3A = arith.constant 0 : i32
    %dma_wait3A_8 = tpu.memref_slice %arg5[%mul3A_4, %dma_wait3A] : memref<10240x128xf32, #tpu.memory_space<vmem_shared>> -> memref<640x128xf32, #tpu.memory_space<vmem_shared>>
    %dma_wait3A_9 = arith.constant 0 : i32
    %dma_wait3A_10 = tpu.memref_slice %arg2[%mul3A_4, %dma_wait3A_9] : memref<10240x128xf32, #tpu.memory_space<hbm>> -> memref<640x128xf32, #tpu.memory_space<hbm>>
    tpu.wait_dma2 semaphore(%arg8 : memref<!tpu.dma_semaphore, #tpu.memory_space<semaphore_mem>>) src(%dma_wait3A_10 : memref<640x128xf32, #tpu.memory_space<hbm>>) dst(%dma_wait3A_8 : memref<640x128xf32, #tpu.memory_space<vmem_shared>>)
    %barrier3A = arith.constant 0 : index
    tpu.barrier barrier_id(%barrier3A)
    %dma_start3A_11 = arith.constant 0 : i32
    %dma_start3A_12 = tpu.memref_slice %arg3[%add3A, %dma_start3A_11] : memref<32x10000xi32, #tpu.memory_space<hbm>> -> memref<1x10000xi32, #tpu.memory_space<hbm>>
    %dma_start3A_13 = tpu.memref_squeeze %dma_start3A_12 : memref<1x10000xi32, #tpu.memory_space<hbm>> -> memref<10000xi32, #tpu.memory_space<hbm>>
    %dma_start3A_14 = arith.constant 0 : i32
    %dma_start3A_15 = tpu.memref_slice %arg3[%add3A, %dma_start3A_14] : memref<32x10000xi32, #tpu.memory_space<hbm>> -> memref<1x10000xi32, #tpu.memory_space<hbm>>
    %dma_start3A_16 = tpu.memref_squeeze %dma_start3A_15 : memref<1x10000xi32, #tpu.memory_space<hbm>> -> memref<10000xi32, #tpu.memory_space<hbm>>
    tpu.enqueue_dma source(%dma_start3A_16 : memref<10000xi32, #tpu.memory_space<hbm>>) target(%arg6 : memref<10000xi32, #tpu.memory_space<vmem>>) target_semaphore(%arg8 : memref<!tpu.dma_semaphore, #tpu.memory_space<semaphore_mem>>)
    %dma_wait3A_17 = arith.constant 0 : i32
    %dma_wait3A_18 = tpu.memref_slice %arg3[%add3A, %dma_wait3A_17] : memref<32x10000xi32, #tpu.memory_space<hbm>> -> memref<1x10000xi32, #tpu.memory_space<hbm>>
    %dma_wait3A_19 = tpu.memref_squeeze %dma_wait3A_18 : memref<1x10000xi32, #tpu.memory_space<hbm>> -> memref<10000xi32, #tpu.memory_space<hbm>>
    %dma_wait3A_20 = arith.constant 0 : i32
    %dma_wait3A_21 = tpu.memref_slice %arg3[%add3A, %dma_wait3A_20] : memref<32x10000xi32, #tpu.memory_space<hbm>> -> memref<1x10000xi32, #tpu.memory_space<hbm>>
    %dma_wait3A_22 = tpu.memref_squeeze %dma_wait3A_21 : memref<1x10000xi32, #tpu.memory_space<hbm>> -> memref<10000xi32, #tpu.memory_space<hbm>>
    tpu.wait_dma2 semaphore(%arg8 : memref<!tpu.dma_semaphore, #tpu.memory_space<semaphore_mem>>) src(%dma_wait3A_22 : memref<10000xi32, #tpu.memory_space<hbm>>) dst(%arg6 : memref<10000xi32, #tpu.memory_space<vmem>>)
    %dma_start3A_23 = arith.constant 0 : i32
    %dma_start3A_24 = arith.constant 0 : i32
    %dma_start3A_25 = arith.constant 0 : i32
    %dma_start3A_26 = tpu.memref_slice %arg7[%dma_start3A_23, %dma_start3A_24, %dma_start3A_25] : memref<2x80x128xf32, #tpu.memory_space<vmem>> -> memref<1x80x128xf32, #tpu.memory_space<vmem>>
    %dma_start3A_27 = tpu.memref_squeeze %dma_start3A_26 : memref<1x80x128xf32, #tpu.memory_space<vmem>> -> memref<80x128xf32, #tpu.memory_space<vmem>>
    %dma_start3A_28 = arith.constant 0 : i32
    %dma_start3A_29 = tpu.memref_slice %arg6[%dma_start3A_28] : memref<10000xi32, #tpu.memory_space<vmem>> -> memref<80xi32, #tpu.memory_space<vmem>>
    %dma_start3A_30 = arith.constant 0 : i32
    %dma_start3A_31 = arith.constant 0 : i32
    %dma_start3A_32 = tpu.memref_slice %arg5[%dma_start3A_30, %dma_start3A_31] : memref<10240x128xf32, #tpu.memory_space<vmem_shared>> -> memref<10240x128xf32, #tpu.memory_space<vmem_shared>>
    tpu.enqueue_indirect_dma source(%dma_start3A_32 : memref<10240x128xf32, #tpu.memory_space<vmem_shared>>) target(%dma_start3A_27 : memref<80x128xf32, #tpu.memory_space<vmem>>) offsets(%dma_start3A_29 : memref<80xi32, #tpu.memory_space<vmem>>) semaphore(%arg9 : memref<!tpu.dma_semaphore, #tpu.memory_space<semaphore_mem>>)
    %scan3A = arith.constant 0 : i32
    %scan3A_33 = arith.constant 62 : i32
    %scan3A_34 = arith.addi %scan3A, %scan3A_33 : i32
    %scan3A_35 = arith.constant 1 : i32
    scf.for %scan3A_49 = %scan3A to %scan3A_34 step %scan3A_35  : i32 {
      %mul3A_50 = arith.constant 2 : i32
      %mul3A_51 = arith.muli %scan3A_49, %mul3A_50 : i32
      %add3A_52 = arith.constant 0 : i32
      %add3A_53 = arith.addi %add3A_52, %mul3A_51 : i32
      %mul3A_54 = arith.constant 80 : i32
      %mul3A_55 = arith.muli %add3A_53, %mul3A_54 : i32
      %dma_wait3A_56 = arith.constant 0 : i32
      %dma_wait3A_57 = arith.constant 0 : i32
      %dma_wait3A_58 = arith.constant 0 : i32
      %dma_wait3A_59 = tpu.memref_slice %arg7[%dma_wait3A_56, %dma_wait3A_57, %dma_wait3A_58] : memref<2x80x128xf32, #tpu.memory_space<vmem>> -> memref<1x80x128xf32, #tpu.memory_space<vmem>>
      %dma_wait3A_60 = tpu.memref_squeeze %dma_wait3A_59 : memref<1x80x128xf32, #tpu.memory_space<vmem>> -> memref<80x128xf32, #tpu.memory_space<vmem>>
      %dma_wait3A_61 = tpu.memref_slice %arg6[%mul3A_55] : memref<10000xi32, #tpu.memory_space<vmem>> -> memref<80xi32, #tpu.memory_space<vmem>>
      %dma_wait3A_62 = arith.constant 0 : i32
      %dma_wait3A_63 = arith.constant 0 : i32
      %dma_wait3A_64 = tpu.memref_slice %arg5[%dma_wait3A_62, %dma_wait3A_63] : memref<10240x128xf32, #tpu.memory_space<vmem_shared>> -> memref<10240x128xf32, #tpu.memory_space<vmem_shared>>
      tpu.wait_indirect_dma semaphore(%arg9 : memref<!tpu.dma_semaphore, #tpu.memory_space<semaphore_mem>>) src(%dma_wait3A_64 : memref<10240x128xf32, #tpu.memory_space<vmem_shared>>) dst(%dma_wait3A_60 : memref<80x128xf32, #tpu.memory_space<vmem>>)
      %add3A_65 = arith.constant 1 : i32
      %add3A_66 = arith.addi %add3A_53, %add3A_65 : i32
      %mul3A_67 = arith.constant 80 : i32
      %mul3A_68 = arith.muli %add3A_66, %mul3A_67 : i32
      %dma_start3A_69 = arith.constant 1 : i32
      %dma_start3A_70 = arith.constant 0 : i32
      %dma_start3A_71 = arith.constant 0 : i32
      %dma_start3A_72 = tpu.memref_slice %arg7[%dma_start3A_69, %dma_start3A_70, %dma_start3A_71] : memref<2x80x128xf32, #tpu.memory_space<vmem>> -> memref<1x80x128xf32, #tpu.memory_space<vmem>>
      %dma_start3A_73 = tpu.memref_squeeze %dma_start3A_72 : memref<1x80x128xf32, #tpu.memory_space<vmem>> -> memref<80x128xf32, #tpu.memory_space<vmem>>
      %dma_start3A_74 = tpu.memref_slice %arg6[%mul3A_68] : memref<10000xi32, #tpu.memory_space<vmem>> -> memref<80xi32, #tpu.memory_space<vmem>>
      %dma_start3A_75 = arith.constant 0 : i32
      %dma_start3A_76 = arith.constant 0 : i32
      %dma_start3A_77 = tpu.memref_slice %arg5[%dma_start3A_75, %dma_start3A_76] : memref<10240x128xf32, #tpu.memory_space<vmem_shared>> -> memref<10240x128xf32, #tpu.memory_space<vmem_shared>>
      tpu.enqueue_indirect_dma source(%dma_start3A_77 : memref<10240x128xf32, #tpu.memory_space<vmem_shared>>) target(%dma_start3A_73 : memref<80x128xf32, #tpu.memory_space<vmem>>) offsets(%dma_start3A_74 : memref<80xi32, #tpu.memory_space<vmem>>) semaphore(%arg10 : memref<!tpu.dma_semaphore, #tpu.memory_space<semaphore_mem>>)
      %mul3A_78 = arith.constant 80 : i32
      %mul3A_79 = arith.muli %add3A_53, %mul3A_78 : i32
      %add3A_80 = arith.addi %mul3A_2, %mul3A_79 : i32
      %run_scoped3A_81 = arith.constant 0 : i32
      "tpu.region"() ({
        %run_scoped3A_105 = tpu.sem_alloc : memref<!tpu.dma_semaphore, #tpu.memory_space<semaphore_mem>>
        %dma_start3A_106 = arith.constant 0 : i32
        %dma_start3A_107 = arith.constant 0 : i32
        %dma_start3A_108 = tpu.memref_slice %arg7[%run_scoped3A_81, %dma_start3A_106, %dma_start3A_107] : memref<2x80x128xf32, #tpu.memory_space<vmem>> -> memref<1x80x128xf32, #tpu.memory_space<vmem>>
        %dma_start3A_109 = tpu.memref_squeeze %dma_start3A_108 : memref<1x80x128xf32, #tpu.memory_space<vmem>> -> memref<80x128xf32, #tpu.memory_space<vmem>>
        %dma_start3A_110 = arith.constant 0 : i32
        %dma_start3A_111 = tpu.memref_slice %arg4[%add3A_80, %dma_start3A_110] : memref<320000x128xf32, #tpu.memory_space<hbm>> -> memref<80x128xf32, #tpu.memory_space<hbm>>
        %dma_start3A_112 = arith.constant 0 : i32
        %dma_start3A_113 = tpu.memref_slice %arg4[%add3A_80, %dma_start3A_112] : memref<320000x128xf32, #tpu.memory_space<hbm>> -> memref<80x128xf32, #tpu.memory_space<hbm>>
        %dma_start3A_114 = arith.constant 0 : i32
        %dma_start3A_115 = arith.constant 0 : i32
        %dma_start3A_116 = tpu.memref_slice %arg7[%run_scoped3A_81, %dma_start3A_114, %dma_start3A_115] : memref<2x80x128xf32, #tpu.memory_space<vmem>> -> memref<1x80x128xf32, #tpu.memory_space<vmem>>
        %dma_start3A_117 = tpu.memref_squeeze %dma_start3A_116 : memref<1x80x128xf32, #tpu.memory_space<vmem>> -> memref<80x128xf32, #tpu.memory_space<vmem>>
        tpu.enqueue_dma source(%dma_start3A_117 : memref<80x128xf32, #tpu.memory_space<vmem>>) target(%dma_start3A_113 : memref<80x128xf32, #tpu.memory_space<hbm>>) target_semaphore(%run_scoped3A_105 : memref<!tpu.dma_semaphore, #tpu.memory_space<semaphore_mem>>)
        %dma_wait3A_118 = arith.constant 0 : i32
        %dma_wait3A_119 = arith.constant 0 : i32
        %dma_wait3A_120 = tpu.memref_slice %arg7[%run_scoped3A_81, %dma_wait3A_118, %dma_wait3A_119] : memref<2x80x128xf32, #tpu.memory_space<vmem>> -> memref<1x80x128xf32, #tpu.memory_space<vmem>>
        %dma_wait3A_121 = tpu.memref_squeeze %dma_wait3A_120 : memref<1x80x128xf32, #tpu.memory_space<vmem>> -> memref<80x128xf32, #tpu.memory_space<vmem>>
        %dma_wait3A_122 = arith.constant 0 : i32
        %dma_wait3A_123 = tpu.memref_slice %arg4[%add3A_80, %dma_wait3A_122] : memref<320000x128xf32, #tpu.memory_space<hbm>> -> memref<80x128xf32, #tpu.memory_space<hbm>>
        %dma_wait3A_124 = arith.constant 0 : i32
        %dma_wait3A_125 = tpu.memref_slice %arg4[%add3A_80, %dma_wait3A_124] : memref<320000x128xf32, #tpu.memory_space<hbm>> -> memref<80x128xf32, #tpu.memory_space<hbm>>
        %dma_wait3A_126 = arith.constant 0 : i32
        %dma_wait3A_127 = arith.constant 0 : i32
        %dma_wait3A_128 = tpu.memref_slice %arg7[%run_scoped3A_81, %dma_wait3A_126, %dma_wait3A_127] : memref<2x80x128xf32, #tpu.memory_space<vmem>> -> memref<1x80x128xf32, #tpu.memory_space<vmem>>
        %dma_wait3A_129 = tpu.memref_squeeze %dma_wait3A_128 : memref<1x80x128xf32, #tpu.memory_space<vmem>> -> memref<80x128xf32, #tpu.memory_space<vmem>>
        tpu.wait_dma2 semaphore(%run_scoped3A_105 : memref<!tpu.dma_semaphore, #tpu.memory_space<semaphore_mem>>) src(%dma_wait3A_129 : memref<80x128xf32, #tpu.memory_space<vmem>>) dst(%dma_wait3A_125 : memref<80x128xf32, #tpu.memory_space<hbm>>)
        tpu.yield
      }) : () -> ()
      %add3A_82 = arith.constant 1 : i32
      %add3A_83 = arith.addi %add3A_53, %add3A_82 : i32
      %mul3A_84 = arith.constant 80 : i32
      %mul3A_85 = arith.muli %add3A_83, %mul3A_84 : i32
      %dma_wait3A_86 = arith.constant 1 : i32
      %dma_wait3A_87 = arith.constant 0 : i32
      %dma_wait3A_88 = arith.constant 0 : i32
      %dma_wait3A_89 = tpu.memref_slice %arg7[%dma_wait3A_86, %dma_wait3A_87, %dma_wait3A_88] : memref<2x80x128xf32, #tpu.memory_space<vmem>> -> memref<1x80x128xf32, #tpu.memory_space<vmem>>
      %dma_wait3A_90 = tpu.memref_squeeze %dma_wait3A_89 : memref<1x80x128xf32, #tpu.memory_space<vmem>> -> memref<80x128xf32, #tpu.memory_space<vmem>>
      %dma_wait3A_91 = tpu.memref_slice %arg6[%mul3A_85] : memref<10000xi32, #tpu.memory_space<vmem>> -> memref<80xi32, #tpu.memory_space<vmem>>
      %dma_wait3A_92 = arith.constant 0 : i32
      %dma_wait3A_93 = arith.constant 0 : i32
      %dma_wait3A_94 = tpu.memref_slice %arg5[%dma_wait3A_92, %dma_wait3A_93] : memref<10240x128xf32, #tpu.memory_space<vmem_shared>> -> memref<10240x128xf32, #tpu.memory_space<vmem_shared>>
      tpu.wait_indirect_dma semaphore(%arg10 : memref<!tpu.dma_semaphore, #tpu.memory_space<semaphore_mem>>) src(%dma_wait3A_94 : memref<10240x128xf32, #tpu.memory_space<vmem_shared>>) dst(%dma_wait3A_90 : memref<80x128xf32, #tpu.memory_space<vmem>>)
      %add3A_95 = arith.constant 2 : i32
      %add3A_96 = arith.addi %add3A_53, %add3A_95 : i32
      %lt3A = arith.constant 125 : i32
      %lt3A_97 = arith.cmpi slt, %add3A_96, %lt3A : i32
      %convert_element_type3A = arith.extui %lt3A_97 : i1 to i32
      %cond3A = arith.constant 0 : i32
      %cond3A_98 = arith.cmpi ne, %convert_element_type3A, %cond3A : i32
      scf.if %cond3A_98 {
        %add3A_105 = arith.constant 2 : i32
        %add3A_106 = arith.addi %add3A_53, %add3A_105 : i32
        %mul3A_107 = arith.constant 80 : i32
        %mul3A_108 = arith.muli %add3A_106, %mul3A_107 : i32
        %dma_start3A_109 = arith.constant 0 : i32
        %dma_start3A_110 = arith.constant 0 : i32
        %dma_start3A_111 = arith.constant 0 : i32
        %dma_start3A_112 = tpu.memref_slice %arg7[%dma_start3A_109, %dma_start3A_110, %dma_start3A_111] : memref<2x80x128xf32, #tpu.memory_space<vmem>> -> memref<1x80x128xf32, #tpu.memory_space<vmem>>
        %dma_start3A_113 = tpu.memref_squeeze %dma_start3A_112 : memref<1x80x128xf32, #tpu.memory_space<vmem>> -> memref<80x128xf32, #tpu.memory_space<vmem>>
        %dma_start3A_114 = tpu.memref_slice %arg6[%mul3A_108] : memref<10000xi32, #tpu.memory_space<vmem>> -> memref<80xi32, #tpu.memory_space<vmem>>
        %dma_start3A_115 = arith.constant 0 : i32
        %dma_start3A_116 = arith.constant 0 : i32
        %dma_start3A_117 = tpu.memref_slice %arg5[%dma_start3A_115, %dma_start3A_116] : memref<10240x128xf32, #tpu.memory_space<vmem_shared>> -> memref<10240x128xf32, #tpu.memory_space<vmem_shared>>
        tpu.enqueue_indirect_dma source(%dma_start3A_117 : memref<10240x128xf32, #tpu.memory_space<vmem_shared>>) target(%dma_start3A_113 : memref<80x128xf32, #tpu.memory_space<vmem>>) offsets(%dma_start3A_114 : memref<80xi32, #tpu.memory_space<vmem>>) semaphore(%arg9 : memref<!tpu.dma_semaphore, #tpu.memory_space<semaphore_mem>>)
      } else {
      }
      %add3A_99 = arith.constant 1 : i32
      %add3A_100 = arith.addi %add3A_53, %add3A_99 : i32
      %mul3A_101 = arith.constant 80 : i32
      %mul3A_102 = arith.muli %add3A_100, %mul3A_101 : i32
      %add3A_103 = arith.addi %mul3A_2, %mul3A_102 : i32
      %run_scoped3A_104 = arith.constant 1 : i32
      "tpu.region"() ({
        %run_scoped3A_105 = tpu.sem_alloc : memref<!tpu.dma_semaphore, #tpu.memory_space<semaphore_mem>>
        %dma_start3A_106 = arith.constant 0 : i32
        %dma_start3A_107 = arith.constant 0 : i32
        %dma_start3A_108 = tpu.memref_slice %arg7[%run_scoped3A_104, %dma_start3A_106, %dma_start3A_107] : memref<2x80x128xf32, #tpu.memory_space<vmem>> -> memref<1x80x128xf32, #tpu.memory_space<vmem>>
        %dma_start3A_109 = tpu.memref_squeeze %dma_start3A_108 : memref<1x80x128xf32, #tpu.memory_space<vmem>> -> memref<80x128xf32, #tpu.memory_space<vmem>>
        %dma_start3A_110 = arith.constant 0 : i32
        %dma_start3A_111 = tpu.memref_slice %arg4[%add3A_103, %dma_start3A_110] : memref<320000x128xf32, #tpu.memory_space<hbm>> -> memref<80x128xf32, #tpu.memory_space<hbm>>
        %dma_start3A_112 = arith.constant 0 : i32
        %dma_start3A_113 = tpu.memref_slice %arg4[%add3A_103, %dma_start3A_112] : memref<320000x128xf32, #tpu.memory_space<hbm>> -> memref<80x128xf32, #tpu.memory_space<hbm>>
        %dma_start3A_114 = arith.constant 0 : i32
        %dma_start3A_115 = arith.constant 0 : i32
        %dma_start3A_116 = tpu.memref_slice %arg7[%run_scoped3A_104, %dma_start3A_114, %dma_start3A_115] : memref<2x80x128xf32, #tpu.memory_space<vmem>> -> memref<1x80x128xf32, #tpu.memory_space<vmem>>
        %dma_start3A_117 = tpu.memref_squeeze %dma_start3A_116 : memref<1x80x128xf32, #tpu.memory_space<vmem>> -> memref<80x128xf32, #tpu.memory_space<vmem>>
        tpu.enqueue_dma source(%dma_start3A_117 : memref<80x128xf32, #tpu.memory_space<vmem>>) target(%dma_start3A_113 : memref<80x128xf32, #tpu.memory_space<hbm>>) target_semaphore(%run_scoped3A_105 : memref<!tpu.dma_semaphore, #tpu.memory_space<semaphore_mem>>)
        %dma_wait3A_118 = arith.constant 0 : i32
        %dma_wait3A_119 = arith.constant 0 : i32
        %dma_wait3A_120 = tpu.memref_slice %arg7[%run_scoped3A_104, %dma_wait3A_118, %dma_wait3A_119] : memref<2x80x128xf32, #tpu.memory_space<vmem>> -> memref<1x80x128xf32, #tpu.memory_space<vmem>>
        %dma_wait3A_121 = tpu.memref_squeeze %dma_wait3A_120 : memref<1x80x128xf32, #tpu.memory_space<vmem>> -> memref<80x128xf32, #tpu.memory_space<vmem>>
        %dma_wait3A_122 = arith.constant 0 : i32
        %dma_wait3A_123 = tpu.memref_slice %arg4[%add3A_103, %dma_wait3A_122] : memref<320000x128xf32, #tpu.memory_space<hbm>> -> memref<80x128xf32, #tpu.memory_space<hbm>>
        %dma_wait3A_124 = arith.constant 0 : i32
        %dma_wait3A_125 = tpu.memref_slice %arg4[%add3A_103, %dma_wait3A_124] : memref<320000x128xf32, #tpu.memory_space<hbm>> -> memref<80x128xf32, #tpu.memory_space<hbm>>
        %dma_wait3A_126 = arith.constant 0 : i32
        %dma_wait3A_127 = arith.constant 0 : i32
        %dma_wait3A_128 = tpu.memref_slice %arg7[%run_scoped3A_104, %dma_wait3A_126, %dma_wait3A_127] : memref<2x80x128xf32, #tpu.memory_space<vmem>> -> memref<1x80x128xf32, #tpu.memory_space<vmem>>
        %dma_wait3A_129 = tpu.memref_squeeze %dma_wait3A_128 : memref<1x80x128xf32, #tpu.memory_space<vmem>> -> memref<80x128xf32, #tpu.memory_space<vmem>>
        tpu.wait_dma2 semaphore(%run_scoped3A_105 : memref<!tpu.dma_semaphore, #tpu.memory_space<semaphore_mem>>) src(%dma_wait3A_129 : memref<80x128xf32, #tpu.memory_space<vmem>>) dst(%dma_wait3A_125 : memref<80x128xf32, #tpu.memory_space<hbm>>)
        tpu.yield
      }) : () -> ()
    }
    %scan3A_36 = arith.constant 62 : i32
    %dma_wait3A_37 = arith.constant 0 : i32
    %dma_wait3A_38 = arith.constant 0 : i32
    %dma_wait3A_39 = arith.constant 0 : i32
    %dma_wait3A_40 = tpu.memref_slice %arg7[%dma_wait3A_37, %dma_wait3A_38, %dma_wait3A_39] : memref<2x80x128xf32, #tpu.memory_space<vmem>> -> memref<1x80x128xf32, #tpu.memory_space<vmem>>
    %dma_wait3A_41 = tpu.memref_squeeze %dma_wait3A_40 : memref<1x80x128xf32, #tpu.memory_space<vmem>> -> memref<80x128xf32, #tpu.memory_space<vmem>>
    %dma_wait3A_42 = arith.constant 9920 : i32
    %dma_wait3A_43 = tpu.memref_slice %arg6[%dma_wait3A_42] : memref<10000xi32, #tpu.memory_space<vmem>> -> memref<80xi32, #tpu.memory_space<vmem>>
    %dma_wait3A_44 = arith.constant 0 : i32
    %dma_wait3A_45 = arith.constant 0 : i32
    %dma_wait3A_46 = tpu.memref_slice %arg5[%dma_wait3A_44, %dma_wait3A_45] : memref<10240x128xf32, #tpu.memory_space<vmem_shared>> -> memref<10240x128xf32, #tpu.memory_space<vmem_shared>>
    tpu.wait_indirect_dma semaphore(%arg9 : memref<!tpu.dma_semaphore, #tpu.memory_space<semaphore_mem>>) src(%dma_wait3A_46 : memref<10240x128xf32, #tpu.memory_space<vmem_shared>>) dst(%dma_wait3A_41 : memref<80x128xf32, #tpu.memory_space<vmem>>)
    %add3A_47 = arith.constant 9920 : i32
    %add3A_48 = arith.addi %mul3A_2, %add3A_47 : i32
    %run_scoped3A = arith.constant 0 : i32
    "tpu.region"() ({
      %run_scoped3A_49 = tpu.sem_alloc : memref<!tpu.dma_semaphore, #tpu.memory_space<semaphore_mem>>
      %dma_start3A_50 = arith.constant 0 : i32
      %dma_start3A_51 = arith.constant 0 : i32
      %dma_start3A_52 = tpu.memref_slice %arg7[%run_scoped3A, %dma_start3A_50, %dma_start3A_51] : memref<2x80x128xf32, #tpu.memory_space<vmem>> -> memref<1x80x128xf32, #tpu.memory_space<vmem>>
      %dma_start3A_53 = tpu.memref_squeeze %dma_start3A_52 : memref<1x80x128xf32, #tpu.memory_space<vmem>> -> memref<80x128xf32, #tpu.memory_space<vmem>>
      %dma_start3A_54 = arith.constant 0 : i32
      %dma_start3A_55 = tpu.memref_slice %arg4[%add3A_48, %dma_start3A_54] : memref<320000x128xf32, #tpu.memory_space<hbm>> -> memref<80x128xf32, #tpu.memory_space<hbm>>
      %dma_start3A_56 = arith.constant 0 : i32
      %dma_start3A_57 = tpu.memref_slice %arg4[%add3A_48, %dma_start3A_56] : memref<320000x128xf32, #tpu.memory_space<hbm>> -> memref<80x128xf32, #tpu.memory_space<hbm>>
      %dma_start3A_58 = arith.constant 0 : i32
      %dma_start3A_59 = arith.constant 0 : i32
      %dma_start3A_60 = tpu.memref_slice %arg7[%run_scoped3A, %dma_start3A_58, %dma_start3A_59] : memref<2x80x128xf32, #tpu.memory_space<vmem>> -> memref<1x80x128xf32, #tpu.memory_space<vmem>>
      %dma_start3A_61 = tpu.memref_squeeze %dma_start3A_60 : memref<1x80x128xf32, #tpu.memory_space<vmem>> -> memref<80x128xf32, #tpu.memory_space<vmem>>
      tpu.enqueue_dma source(%dma_start3A_61 : memref<80x128xf32, #tpu.memory_space<vmem>>) target(%dma_start3A_57 : memref<80x128xf32, #tpu.memory_space<hbm>>) target_semaphore(%run_scoped3A_49 : memref<!tpu.dma_semaphore, #tpu.memory_space<semaphore_mem>>)
      %dma_wait3A_62 = arith.constant 0 : i32
      %dma_wait3A_63 = arith.constant 0 : i32
      %dma_wait3A_64 = tpu.memref_slice %arg7[%run_scoped3A, %dma_wait3A_62, %dma_wait3A_63] : memref<2x80x128xf32, #tpu.memory_space<vmem>> -> memref<1x80x128xf32, #tpu.memory_space<vmem>>
      %dma_wait3A_65 = tpu.memref_squeeze %dma_wait3A_64 : memref<1x80x128xf32, #tpu.memory_space<vmem>> -> memref<80x128xf32, #tpu.memory_space<vmem>>
      %dma_wait3A_66 = arith.constant 0 : i32
      %dma_wait3A_67 = tpu.memref_slice %arg4[%add3A_48, %dma_wait3A_66] : memref<320000x128xf32, #tpu.memory_space<hbm>> -> memref<80x128xf32, #tpu.memory_space<hbm>>
      %dma_wait3A_68 = arith.constant 0 : i32
      %dma_wait3A_69 = tpu.memref_slice %arg4[%add3A_48, %dma_wait3A_68] : memref<320000x128xf32, #tpu.memory_space<hbm>> -> memref<80x128xf32, #tpu.memory_space<hbm>>
      %dma_wait3A_70 = arith.constant 0 : i32
      %dma_wait3A_71 = arith.constant 0 : i32
      %dma_wait3A_72 = tpu.memref_slice %arg7[%run_scoped3A, %dma_wait3A_70, %dma_wait3A_71] : memref<2x80x128xf32, #tpu.memory_space<vmem>> -> memref<1x80x128xf32, #tpu.memory_space<vmem>>
      %dma_wait3A_73 = tpu.memref_squeeze %dma_wait3A_72 : memref<1x80x128xf32, #tpu.memory_space<vmem>> -> memref<80x128xf32, #tpu.memory_space<vmem>>
      tpu.wait_dma2 semaphore(%run_scoped3A_49 : memref<!tpu.dma_semaphore, #tpu.memory_space<semaphore_mem>>) src(%dma_wait3A_73 : memref<80x128xf32, #tpu.memory_space<vmem>>) dst(%dma_wait3A_69 : memref<80x128xf32, #tpu.memory_space<hbm>>)
      tpu.yield
    }) : () -> ()
    return
  }
}

module attributes {stable_mosaic.version = 14 : i64} {
  func.func @_matmul_body(%arg0: i32, %arg1: memref<2048x128xf32, #tpu.memory_space<vmem>>, %arg2: memref<128x128xf32, #tpu.memory_space<vmem>>, %arg3: memref<2048x128xf32, #tpu.memory_space<vmem>>) attributes {dimension_semantics = [#tpu.dimension_semantics<parallel>], iteration_bounds = array<i64: 5>, scalar_prefetch = 0 : i64, scratch_operands = 0 : i64, tpu.core_type = #tpu.core_type<tc>, window_params = [{transform_indices = @transform_0, window_bounds = array<i64: 2048, 128>}, {pipeline_mode = #tpu.pipeline_mode<synchronous>, transform_indices = @transform_1, window_bounds = array<i64: 128, 128>}, {transform_indices = @transform_2, window_bounds = array<i64: 2048, 128>}]} {
    %get3A = arith.constant 0 : index
    %get3A_0 = arith.constant 0 : index
    %get3A_1 = vector.load %arg1[%get3A, %get3A_0] : memref<2048x128xf32, #tpu.memory_space<vmem>>, vector<2048x128xf32>
    %convert_element_type3A = arith.truncf %get3A_1 : vector<2048x128xf32> to vector<2048x128xbf16>
    %get3A_2 = arith.constant 0 : index
    %get3A_3 = arith.constant 0 : index
    %get3A_4 = vector.load %arg2[%get3A_2, %get3A_3] : memref<128x128xf32, #tpu.memory_space<vmem>>, vector<128x128xf32>
    %convert_element_type3A_5 = arith.truncf %get3A_4 : vector<128x128xf32> to vector<128x128xbf16>
    %dot_general3A = arith.constant dense<0.000000e+00> : vector<2048x128xf32>
    %dot_general3A_6 = tpu.matmul %convert_element_type3A, %convert_element_type3A_5, %dot_general3A {dimension_numbers = #tpu.dot_dimension_numbers<[1], [1], [0], [0], [0, 0, 1, 0], [], []>, transpose_lhs_hint = false} : vector<2048x128xbf16>, vector<128x128xbf16>, vector<2048x128xf32> -> vector<2048x128xf32>
    %swap3A = arith.constant 0 : index
    %swap3A_7 = arith.constant 0 : index
    %swap3A_8 = vector.load %arg3[%swap3A, %swap3A_7] : memref<2048x128xf32, #tpu.memory_space<vmem>>, vector<2048x128xf32>
    tpu.vector_store %arg3[%swap3A, %swap3A_7], %dot_general3A_6 {strides = array<i32>} : memref<2048x128xf32, #tpu.memory_space<vmem>>, vector<2048x128xf32>,
    return
  }
  func.func @transform_0(%arg0: i32) -> (i32, i32) {
    %c0_i32 = arith.constant 0 : i32
    %c0_i32_0 = arith.constant 0 : i32
    return %arg0, %c0_i32 : i32, i32
  }
  func.func @transform_1(%arg0: i32) -> (i32, i32) {
    %c0_i32 = arith.constant 0 : i32
    %c0_i32_0 = arith.constant 0 : i32
    %c0_i32_1 = arith.constant 0 : i32
    return %c0_i32, %c0_i32_0 : i32, i32
  }
  func.func @transform_2(%arg0: i32) -> (i32, i32) {
    %c0_i32 = arith.constant 0 : i32
    %c0_i32_0 = arith.constant 0 : i32
    return %arg0, %c0_i32 : i32, i32
  }
}

module attributes {stable_mosaic.version = 14 : i64} {
  func.func @_median_body(%arg0: i32, %arg1: memref<32x400x128xf32, #tpu.memory_space<vmem>>, %arg2: memref<400x128xf32, #tpu.memory_space<vmem>>) attributes {dimension_semantics = [#tpu.dimension_semantics<parallel>], iteration_bounds = array<i64: 25>, scalar_prefetch = 0 : i64, scratch_operands = 0 : i64, tpu.core_type = #tpu.core_type<tc>, window_params = [{transform_indices = @transform_0, window_bounds = array<i64: 32, 400, 128>}, {transform_indices = @transform_1, window_bounds = array<i64: 400, 128>}]} {
    %scan3A = arith.constant 0 : i32
    %scan3A_0 = arith.constant 25 : i32
    %scan3A_1 = arith.addi %scan3A, %scan3A_0 : i32
    %scan3A_2 = arith.constant 1 : i32
    scf.for %scan3A_4 = %scan3A to %scan3A_1 step %scan3A_2  : i32 {
      %mul3A = arith.constant 16 : i32
      %mul3A_5 = arith.muli %scan3A_4, %mul3A : i32
      %get3A = arith.constant 0 : index
      %get3A_6 = arith.index_cast %mul3A_5 : i32 to index
      %get3A_7 = arith.constant 0 : index
      %get3A_8 = vector.load %arg1[%get3A, %get3A_6, %get3A_7] : memref<32x400x128xf32, #tpu.memory_space<vmem>>, vector<1x16x128xf32>
      %get3A_9 = vector.shape_cast %get3A_8 : vector<1x16x128xf32> to vector<16x128xf32>
      %convert_element_type3A = arith.truncf %get3A_9 : vector<16x128xf32> to vector<16x128xbf16>
      %get3A_10 = arith.constant 1 : index
      %get3A_11 = arith.index_cast %mul3A_5 : i32 to index
      %get3A_12 = arith.constant 0 : index
      %get3A_13 = vector.load %arg1[%get3A_10, %get3A_11, %get3A_12] : memref<32x400x128xf32, #tpu.memory_space<vmem>>, vector<1x16x128xf32>
      %get3A_14 = vector.shape_cast %get3A_13 : vector<1x16x128xf32> to vector<16x128xf32>
      %convert_element_type3A_15 = arith.truncf %get3A_14 : vector<16x128xf32> to vector<16x128xbf16>
      %get3A_16 = arith.constant 2 : index
      %get3A_17 = arith.index_cast %mul3A_5 : i32 to index
      %get3A_18 = arith.constant 0 : index
      %get3A_19 = vector.load %arg1[%get3A_16, %get3A_17, %get3A_18] : memref<32x400x128xf32, #tpu.memory_space<vmem>>, vector<1x16x128xf32>
      %get3A_20 = vector.shape_cast %get3A_19 : vector<1x16x128xf32> to vector<16x128xf32>
      %convert_element_type3A_21 = arith.truncf %get3A_20 : vector<16x128xf32> to vector<16x128xbf16>
      %get3A_22 = arith.constant 3 : index
      %get3A_23 = arith.index_cast %mul3A_5 : i32 to index
      %get3A_24 = arith.constant 0 : index
      %get3A_25 = vector.load %arg1[%get3A_22, %get3A_23, %get3A_24] : memref<32x400x128xf32, #tpu.memory_space<vmem>>, vector<1x16x128xf32>
      %get3A_26 = vector.shape_cast %get3A_25 : vector<1x16x128xf32> to vector<16x128xf32>
      %convert_element_type3A_27 = arith.truncf %get3A_26 : vector<16x128xf32> to vector<16x128xbf16>
      %get3A_28 = arith.constant 4 : index
      %get3A_29 = arith.index_cast %mul3A_5 : i32 to index
      %get3A_30 = arith.constant 0 : index
      %get3A_31 = vector.load %arg1[%get3A_28, %get3A_29, %get3A_30] : memref<32x400x128xf32, #tpu.memory_space<vmem>>, vector<1x16x128xf32>
      %get3A_32 = vector.shape_cast %get3A_31 : vector<1x16x128xf32> to vector<16x128xf32>
      %convert_element_type3A_33 = arith.truncf %get3A_32 : vector<16x128xf32> to vector<16x128xbf16>
      %get3A_34 = arith.constant 5 : index
      %get3A_35 = arith.index_cast %mul3A_5 : i32 to index
      %get3A_36 = arith.constant 0 : index
      %get3A_37 = vector.load %arg1[%get3A_34, %get3A_35, %get3A_36] : memref<32x400x128xf32, #tpu.memory_space<vmem>>, vector<1x16x128xf32>
      %get3A_38 = vector.shape_cast %get3A_37 : vector<1x16x128xf32> to vector<16x128xf32>
      %convert_element_type3A_39 = arith.truncf %get3A_38 : vector<16x128xf32> to vector<16x128xbf16>
      %get3A_40 = arith.constant 6 : index
      %get3A_41 = arith.index_cast %mul3A_5 : i32 to index
      %get3A_42 = arith.constant 0 : index
      %get3A_43 = vector.load %arg1[%get3A_40, %get3A_41, %get3A_42] : memref<32x400x128xf32, #tpu.memory_space<vmem>>, vector<1x16x128xf32>
      %get3A_44 = vector.shape_cast %get3A_43 : vector<1x16x128xf32> to vector<16x128xf32>
      %convert_element_type3A_45 = arith.truncf %get3A_44 : vector<16x128xf32> to vector<16x128xbf16>
      %get3A_46 = arith.constant 7 : index
      %get3A_47 = arith.index_cast %mul3A_5 : i32 to index
      %get3A_48 = arith.constant 0 : index
      %get3A_49 = vector.load %arg1[%get3A_46, %get3A_47, %get3A_48] : memref<32x400x128xf32, #tpu.memory_space<vmem>>, vector<1x16x128xf32>
      %get3A_50 = vector.shape_cast %get3A_49 : vector<1x16x128xf32> to vector<16x128xf32>
      %convert_element_type3A_51 = arith.truncf %get3A_50 : vector<16x128xf32> to vector<16x128xbf16>
      %get3A_52 = arith.constant 8 : index
      %get3A_53 = arith.index_cast %mul3A_5 : i32 to index
      %get3A_54 = arith.constant 0 : index
      %get3A_55 = vector.load %arg1[%get3A_52, %get3A_53, %get3A_54] : memref<32x400x128xf32, #tpu.memory_space<vmem>>, vector<1x16x128xf32>
      %get3A_56 = vector.shape_cast %get3A_55 : vector<1x16x128xf32> to vector<16x128xf32>
      %convert_element_type3A_57 = arith.truncf %get3A_56 : vector<16x128xf32> to vector<16x128xbf16>
      %get3A_58 = arith.constant 9 : index
      %get3A_59 = arith.index_cast %mul3A_5 : i32 to index
      %get3A_60 = arith.constant 0 : index
      %get3A_61 = vector.load %arg1[%get3A_58, %get3A_59, %get3A_60] : memref<32x400x128xf32, #tpu.memory_space<vmem>>, vector<1x16x128xf32>
      %get3A_62 = vector.shape_cast %get3A_61 : vector<1x16x128xf32> to vector<16x128xf32>
      %convert_element_type3A_63 = arith.truncf %get3A_62 : vector<16x128xf32> to vector<16x128xbf16>
      %get3A_64 = arith.constant 10 : index
      %get3A_65 = arith.index_cast %mul3A_5 : i32 to index
      %get3A_66 = arith.constant 0 : index
      %get3A_67 = vector.load %arg1[%get3A_64, %get3A_65, %get3A_66] : memref<32x400x128xf32, #tpu.memory_space<vmem>>, vector<1x16x128xf32>
      %get3A_68 = vector.shape_cast %get3A_67 : vector<1x16x128xf32> to vector<16x128xf32>
      %convert_element_type3A_69 = arith.truncf %get3A_68 : vector<16x128xf32> to vector<16x128xbf16>
      %get3A_70 = arith.constant 11 : index
      %get3A_71 = arith.index_cast %mul3A_5 : i32 to index
      %get3A_72 = arith.constant 0 : index
      %get3A_73 = vector.load %arg1[%get3A_70, %get3A_71, %get3A_72] : memref<32x400x128xf32, #tpu.memory_space<vmem>>, vector<1x16x128xf32>
      %get3A_74 = vector.shape_cast %get3A_73 : vector<1x16x128xf32> to vector<16x128xf32>
      %convert_element_type3A_75 = arith.truncf %get3A_74 : vector<16x128xf32> to vector<16x128xbf16>
      %get3A_76 = arith.constant 12 : index
      %get3A_77 = arith.index_cast %mul3A_5 : i32 to index
      %get3A_78 = arith.constant 0 : index
      %get3A_79 = vector.load %arg1[%get3A_76, %get3A_77, %get3A_78] : memref<32x400x128xf32, #tpu.memory_space<vmem>>, vector<1x16x128xf32>
      %get3A_80 = vector.shape_cast %get3A_79 : vector<1x16x128xf32> to vector<16x128xf32>
      %convert_element_type3A_81 = arith.truncf %get3A_80 : vector<16x128xf32> to vector<16x128xbf16>
      %get3A_82 = arith.constant 13 : index
      %get3A_83 = arith.index_cast %mul3A_5 : i32 to index
      %get3A_84 = arith.constant 0 : index
      %get3A_85 = vector.load %arg1[%get3A_82, %get3A_83, %get3A_84] : memref<32x400x128xf32, #tpu.memory_space<vmem>>, vector<1x16x128xf32>
      %get3A_86 = vector.shape_cast %get3A_85 : vector<1x16x128xf32> to vector<16x128xf32>
      %convert_element_type3A_87 = arith.truncf %get3A_86 : vector<16x128xf32> to vector<16x128xbf16>
      %get3A_88 = arith.constant 14 : index
      %get3A_89 = arith.index_cast %mul3A_5 : i32 to index
      %get3A_90 = arith.constant 0 : index
      %get3A_91 = vector.load %arg1[%get3A_88, %get3A_89, %get3A_90] : memref<32x400x128xf32, #tpu.memory_space<vmem>>, vector<1x16x128xf32>
      %get3A_92 = vector.shape_cast %get3A_91 : vector<1x16x128xf32> to vector<16x128xf32>
      %convert_element_type3A_93 = arith.truncf %get3A_92 : vector<16x128xf32> to vector<16x128xbf16>
      %get3A_94 = arith.constant 15 : index
      %get3A_95 = arith.index_cast %mul3A_5 : i32 to index
      %get3A_96 = arith.constant 0 : index
      %get3A_97 = vector.load %arg1[%get3A_94, %get3A_95, %get3A_96] : memref<32x400x128xf32, #tpu.memory_space<vmem>>, vector<1x16x128xf32>
      %get3A_98 = vector.shape_cast %get3A_97 : vector<1x16x128xf32> to vector<16x128xf32>
      %convert_element_type3A_99 = arith.truncf %get3A_98 : vector<16x128xf32> to vector<16x128xbf16>
      %get3A_100 = arith.constant 16 : index
      %get3A_101 = arith.index_cast %mul3A_5 : i32 to index
      %get3A_102 = arith.constant 0 : index
      %get3A_103 = vector.load %arg1[%get3A_100, %get3A_101, %get3A_102] : memref<32x400x128xf32, #tpu.memory_space<vmem>>, vector<1x16x128xf32>
      %get3A_104 = vector.shape_cast %get3A_103 : vector<1x16x128xf32> to vector<16x128xf32>
      %convert_element_type3A_105 = arith.truncf %get3A_104 : vector<16x128xf32> to vector<16x128xbf16>
      %get3A_106 = arith.constant 17 : index
      %get3A_107 = arith.index_cast %mul3A_5 : i32 to index
      %get3A_108 = arith.constant 0 : index
      %get3A_109 = vector.load %arg1[%get3A_106, %get3A_107, %get3A_108] : memref<32x400x128xf32, #tpu.memory_space<vmem>>, vector<1x16x128xf32>
      %get3A_110 = vector.shape_cast %get3A_109 : vector<1x16x128xf32> to vector<16x128xf32>
      %convert_element_type3A_111 = arith.truncf %get3A_110 : vector<16x128xf32> to vector<16x128xbf16>
      %get3A_112 = arith.constant 18 : index
      %get3A_113 = arith.index_cast %mul3A_5 : i32 to index
      %get3A_114 = arith.constant 0 : index
      %get3A_115 = vector.load %arg1[%get3A_112, %get3A_113, %get3A_114] : memref<32x400x128xf32, #tpu.memory_space<vmem>>, vector<1x16x128xf32>
      %get3A_116 = vector.shape_cast %get3A_115 : vector<1x16x128xf32> to vector<16x128xf32>
      %convert_element_type3A_117 = arith.truncf %get3A_116 : vector<16x128xf32> to vector<16x128xbf16>
      %get3A_118 = arith.constant 19 : index
      %get3A_119 = arith.index_cast %mul3A_5 : i32 to index
      %get3A_120 = arith.constant 0 : index
      %get3A_121 = vector.load %arg1[%get3A_118, %get3A_119, %get3A_120] : memref<32x400x128xf32, #tpu.memory_space<vmem>>, vector<1x16x128xf32>
      %get3A_122 = vector.shape_cast %get3A_121 : vector<1x16x128xf32> to vector<16x128xf32>
      %convert_element_type3A_123 = arith.truncf %get3A_122 : vector<16x128xf32> to vector<16x128xbf16>
      %get3A_124 = arith.constant 20 : index
      %get3A_125 = arith.index_cast %mul3A_5 : i32 to index
      %get3A_126 = arith.constant 0 : index
      %get3A_127 = vector.load %arg1[%get3A_124, %get3A_125, %get3A_126] : memref<32x400x128xf32, #tpu.memory_space<vmem>>, vector<1x16x128xf32>
      %get3A_128 = vector.shape_cast %get3A_127 : vector<1x16x128xf32> to vector<16x128xf32>
      %convert_element_type3A_129 = arith.truncf %get3A_128 : vector<16x128xf32> to vector<16x128xbf16>
      %get3A_130 = arith.constant 21 : index
      %get3A_131 = arith.index_cast %mul3A_5 : i32 to index
      %get3A_132 = arith.constant 0 : index
      %get3A_133 = vector.load %arg1[%get3A_130, %get3A_131, %get3A_132] : memref<32x400x128xf32, #tpu.memory_space<vmem>>, vector<1x16x128xf32>
      %get3A_134 = vector.shape_cast %get3A_133 : vector<1x16x128xf32> to vector<16x128xf32>
      %convert_element_type3A_135 = arith.truncf %get3A_134 : vector<16x128xf32> to vector<16x128xbf16>
      %get3A_136 = arith.constant 22 : index
      %get3A_137 = arith.index_cast %mul3A_5 : i32 to index
      %get3A_138 = arith.constant 0 : index
      %get3A_139 = vector.load %arg1[%get3A_136, %get3A_137, %get3A_138] : memref<32x400x128xf32, #tpu.memory_space<vmem>>, vector<1x16x128xf32>
      %get3A_140 = vector.shape_cast %get3A_139 : vector<1x16x128xf32> to vector<16x128xf32>
      %convert_element_type3A_141 = arith.truncf %get3A_140 : vector<16x128xf32> to vector<16x128xbf16>
      %get3A_142 = arith.constant 23 : index
      %get3A_143 = arith.index_cast %mul3A_5 : i32 to index
      %get3A_144 = arith.constant 0 : index
      %get3A_145 = vector.load %arg1[%get3A_142, %get3A_143, %get3A_144] : memref<32x400x128xf32, #tpu.memory_space<vmem>>, vector<1x16x128xf32>
      %get3A_146 = vector.shape_cast %get3A_145 : vector<1x16x128xf32> to vector<16x128xf32>
      %convert_element_type3A_147 = arith.truncf %get3A_146 : vector<16x128xf32> to vector<16x128xbf16>
      %get3A_148 = arith.constant 24 : index
      %get3A_149 = arith.index_cast %mul3A_5 : i32 to index
      %get3A_150 = arith.constant 0 : index
      %get3A_151 = vector.load %arg1[%get3A_148, %get3A_149, %get3A_150] : memref<32x400x128xf32, #tpu.memory_space<vmem>>, vector<1x16x128xf32>
      %get3A_152 = vector.shape_cast %get3A_151 : vector<1x16x128xf32> to vector<16x128xf32>
      %convert_element_type3A_153 = arith.truncf %get3A_152 : vector<16x128xf32> to vector<16x128xbf16>
      %get3A_154 = arith.constant 25 : index
      %get3A_155 = arith.index_cast %mul3A_5 : i32 to index
      %get3A_156 = arith.constant 0 : index
      %get3A_157 = vector.load %arg1[%get3A_154, %get3A_155, %get3A_156] : memref<32x400x128xf32, #tpu.memory_space<vmem>>, vector<1x16x128xf32>
      %get3A_158 = vector.shape_cast %get3A_157 : vector<1x16x128xf32> to vector<16x128xf32>
      %convert_element_type3A_159 = arith.truncf %get3A_158 : vector<16x128xf32> to vector<16x128xbf16>
      %get3A_160 = arith.constant 26 : index
      %get3A_161 = arith.index_cast %mul3A_5 : i32 to index
      %get3A_162 = arith.constant 0 : index
      %get3A_163 = vector.load %arg1[%get3A_160, %get3A_161, %get3A_162] : memref<32x400x128xf32, #tpu.memory_space<vmem>>, vector<1x16x128xf32>
      %get3A_164 = vector.shape_cast %get3A_163 : vector<1x16x128xf32> to vector<16x128xf32>
      %convert_element_type3A_165 = arith.truncf %get3A_164 : vector<16x128xf32> to vector<16x128xbf16>
      %get3A_166 = arith.constant 27 : index
      %get3A_167 = arith.index_cast %mul3A_5 : i32 to index
      %get3A_168 = arith.constant 0 : index
      %get3A_169 = vector.load %arg1[%get3A_166, %get3A_167, %get3A_168] : memref<32x400x128xf32, #tpu.memory_space<vmem>>, vector<1x16x128xf32>
      %get3A_170 = vector.shape_cast %get3A_169 : vector<1x16x128xf32> to vector<16x128xf32>
      %convert_element_type3A_171 = arith.truncf %get3A_170 : vector<16x128xf32> to vector<16x128xbf16>
      %get3A_172 = arith.constant 28 : index
      %get3A_173 = arith.index_cast %mul3A_5 : i32 to index
      %get3A_174 = arith.constant 0 : index
      %get3A_175 = vector.load %arg1[%get3A_172, %get3A_173, %get3A_174] : memref<32x400x128xf32, #tpu.memory_space<vmem>>, vector<1x16x128xf32>
      %get3A_176 = vector.shape_cast %get3A_175 : vector<1x16x128xf32> to vector<16x128xf32>
      %convert_element_type3A_177 = arith.truncf %get3A_176 : vector<16x128xf32> to vector<16x128xbf16>
      %get3A_178 = arith.constant 29 : index
      %get3A_179 = arith.index_cast %mul3A_5 : i32 to index
      %get3A_180 = arith.constant 0 : index
      %get3A_181 = vector.load %arg1[%get3A_178, %get3A_179, %get3A_180] : memref<32x400x128xf32, #tpu.memory_space<vmem>>, vector<1x16x128xf32>
      %get3A_182 = vector.shape_cast %get3A_181 : vector<1x16x128xf32> to vector<16x128xf32>
      %convert_element_type3A_183 = arith.truncf %get3A_182 : vector<16x128xf32> to vector<16x128xbf16>
      %get3A_184 = arith.constant 30 : index
      %get3A_185 = arith.index_cast %mul3A_5 : i32 to index
      %get3A_186 = arith.constant 0 : index
      %get3A_187 = vector.load %arg1[%get3A_184, %get3A_185, %get3A_186] : memref<32x400x128xf32, #tpu.memory_space<vmem>>, vector<1x16x128xf32>
      %get3A_188 = vector.shape_cast %get3A_187 : vector<1x16x128xf32> to vector<16x128xf32>
      %convert_element_type3A_189 = arith.truncf %get3A_188 : vector<16x128xf32> to vector<16x128xbf16>
      %get3A_190 = arith.constant 31 : index
      %get3A_191 = arith.index_cast %mul3A_5 : i32 to index
      %get3A_192 = arith.constant 0 : index
      %get3A_193 = vector.load %arg1[%get3A_190, %get3A_191, %get3A_192] : memref<32x400x128xf32, #tpu.memory_space<vmem>>, vector<1x16x128xf32>
      %get3A_194 = vector.shape_cast %get3A_193 : vector<1x16x128xf32> to vector<16x128xf32>
      %convert_element_type3A_195 = arith.truncf %get3A_194 : vector<16x128xf32> to vector<16x128xbf16>
      %min3A = arith.minimumf %convert_element_type3A, %convert_element_type3A_15 : vector<16x128xbf16>
      %max3A = arith.maximumf %convert_element_type3A, %convert_element_type3A_15 : vector<16x128xbf16>
      %min3A_196 = arith.minimumf %convert_element_type3A_21, %convert_element_type3A_27 : vector<16x128xbf16>
      %max3A_197 = arith.maximumf %convert_element_type3A_21, %convert_element_type3A_27 : vector<16x128xbf16>
      %min3A_198 = arith.minimumf %min3A, %min3A_196 : vector<16x128xbf16>
      %max3A_199 = arith.maximumf %min3A, %min3A_196 : vector<16x128xbf16>
      %min3A_200 = arith.minimumf %max3A, %max3A_197 : vector<16x128xbf16>
      %max3A_201 = arith.maximumf %max3A, %max3A_197 : vector<16x128xbf16>
      %min3A_202 = arith.minimumf %min3A_200, %max3A_199 : vector<16x128xbf16>
      %max3A_203 = arith.maximumf %min3A_200, %max3A_199 : vector<16x128xbf16>
      %min3A_204 = arith.minimumf %convert_element_type3A_33, %convert_element_type3A_39 : vector<16x128xbf16>
      %max3A_205 = arith.maximumf %convert_element_type3A_33, %convert_element_type3A_39 : vector<16x128xbf16>
      %min3A_206 = arith.minimumf %convert_element_type3A_45, %convert_element_type3A_51 : vector<16x128xbf16>
      %max3A_207 = arith.maximumf %convert_element_type3A_45, %convert_element_type3A_51 : vector<16x128xbf16>
      %min3A_208 = arith.minimumf %min3A_204, %min3A_206 : vector<16x128xbf16>
      %max3A_209 = arith.maximumf %min3A_204, %min3A_206 : vector<16x128xbf16>
      %min3A_210 = arith.minimumf %max3A_205, %max3A_207 : vector<16x128xbf16>
      %max3A_211 = arith.maximumf %max3A_205, %max3A_207 : vector<16x128xbf16>
      %min3A_212 = arith.minimumf %min3A_210, %max3A_209 : vector<16x128xbf16>
      %max3A_213 = arith.maximumf %min3A_210, %max3A_209 : vector<16x128xbf16>
      %min3A_214 = arith.minimumf %min3A_198, %min3A_208 : vector<16x128xbf16>
      %max3A_215 = arith.maximumf %min3A_198, %min3A_208 : vector<16x128xbf16>
      %min3A_216 = arith.minimumf %max3A_203, %max3A_213 : vector<16x128xbf16>
      %max3A_217 = arith.maximumf %max3A_203, %max3A_213 : vector<16x128xbf16>
      %min3A_218 = arith.minimumf %min3A_216, %max3A_215 : vector<16x128xbf16>
      %max3A_219 = arith.maximumf %min3A_216, %max3A_215 : vector<16x128xbf16>
      %min3A_220 = arith.minimumf %min3A_202, %min3A_212 : vector<16x128xbf16>
      %max3A_221 = arith.maximumf %min3A_202, %min3A_212 : vector<16x128xbf16>
      %min3A_222 = arith.minimumf %max3A_201, %max3A_211 : vector<16x128xbf16>
      %max3A_223 = arith.maximumf %max3A_201, %max3A_211 : vector<16x128xbf16>
      %min3A_224 = arith.minimumf %min3A_222, %max3A_221 : vector<16x128xbf16>
      %max3A_225 = arith.maximumf %min3A_222, %max3A_221 : vector<16x128xbf16>
      %min3A_226 = arith.minimumf %min3A_220, %min3A_218 : vector<16x128xbf16>
      %max3A_227 = arith.maximumf %min3A_220, %min3A_218 : vector<16x128xbf16>
      %min3A_228 = arith.minimumf %min3A_224, %max3A_219 : vector<16x128xbf16>
      %max3A_229 = arith.maximumf %min3A_224, %max3A_219 : vector<16x128xbf16>
      %min3A_230 = arith.minimumf %max3A_225, %max3A_217 : vector<16x128xbf16>
      %max3A_231 = arith.maximumf %max3A_225, %max3A_217 : vector<16x128xbf16>
      %min3A_232 = arith.minimumf %convert_element_type3A_57, %convert_element_type3A_63 : vector<16x128xbf16>
      %max3A_233 = arith.maximumf %convert_element_type3A_57, %convert_element_type3A_63 : vector<16x128xbf16>
      %min3A_234 = arith.minimumf %convert_element_type3A_69, %convert_element_type3A_75 : vector<16x128xbf16>
      %max3A_235 = arith.maximumf %convert_element_type3A_69, %convert_element_type3A_75 : vector<16x128xbf16>
      %min3A_236 = arith.minimumf %min3A_232, %min3A_234 : vector<16x128xbf16>
      %max3A_237 = arith.maximumf %min3A_232, %min3A_234 : vector<16x128xbf16>
      %min3A_238 = arith.minimumf %max3A_233, %max3A_235 : vector<16x128xbf16>
      %max3A_239 = arith.maximumf %max3A_233, %max3A_235 : vector<16x128xbf16>
      %min3A_240 = arith.minimumf %min3A_238, %max3A_237 : vector<16x128xbf16>
      %max3A_241 = arith.maximumf %min3A_238, %max3A_237 : vector<16x128xbf16>
      %min3A_242 = arith.minimumf %convert_element_type3A_81, %convert_element_type3A_87 : vector<16x128xbf16>
      %max3A_243 = arith.maximumf %convert_element_type3A_81, %convert_element_type3A_87 : vector<16x128xbf16>
      %min3A_244 = arith.minimumf %convert_element_type3A_93, %convert_element_type3A_99 : vector<16x128xbf16>
      %max3A_245 = arith.maximumf %convert_element_type3A_93, %convert_element_type3A_99 : vector<16x128xbf16>
      %min3A_246 = arith.minimumf %min3A_242, %min3A_244 : vector<16x128xbf16>
      %max3A_247 = arith.maximumf %min3A_242, %min3A_244 : vector<16x128xbf16>
      %min3A_248 = arith.minimumf %max3A_243, %max3A_245 : vector<16x128xbf16>
      %max3A_249 = arith.maximumf %max3A_243, %max3A_245 : vector<16x128xbf16>
      %min3A_250 = arith.minimumf %min3A_248, %max3A_247 : vector<16x128xbf16>
      %max3A_251 = arith.maximumf %min3A_248, %max3A_247 : vector<16x128xbf16>
      %min3A_252 = arith.minimumf %min3A_236, %min3A_246 : vector<16x128xbf16>
      %max3A_253 = arith.maximumf %min3A_236, %min3A_246 : vector<16x128xbf16>
      %min3A_254 = arith.minimumf %max3A_241, %max3A_251 : vector<16x128xbf16>
      %max3A_255 = arith.maximumf %max3A_241, %max3A_251 : vector<16x128xbf16>
      %min3A_256 = arith.minimumf %min3A_254, %max3A_253 : vector<16x128xbf16>
      %max3A_257 = arith.maximumf %min3A_254, %max3A_253 : vector<16x128xbf16>
      %min3A_258 = arith.minimumf %min3A_240, %min3A_250 : vector<16x128xbf16>
      %max3A_259 = arith.maximumf %min3A_240, %min3A_250 : vector<16x128xbf16>
      %min3A_260 = arith.minimumf %max3A_239, %max3A_249 : vector<16x128xbf16>
      %max3A_261 = arith.maximumf %max3A_239, %max3A_249 : vector<16x128xbf16>
      %min3A_262 = arith.minimumf %min3A_260, %max3A_259 : vector<16x128xbf16>
      %max3A_263 = arith.maximumf %min3A_260, %max3A_259 : vector<16x128xbf16>
      %min3A_264 = arith.minimumf %min3A_258, %min3A_256 : vector<16x128xbf16>
      %max3A_265 = arith.maximumf %min3A_258, %min3A_256 : vector<16x128xbf16>
      %min3A_266 = arith.minimumf %min3A_262, %max3A_257 : vector<16x128xbf16>
      %max3A_267 = arith.maximumf %min3A_262, %max3A_257 : vector<16x128xbf16>
      %min3A_268 = arith.minimumf %max3A_263, %max3A_255 : vector<16x128xbf16>
      %max3A_269 = arith.maximumf %max3A_263, %max3A_255 : vector<16x128xbf16>
      %min3A_270 = arith.minimumf %min3A_214, %min3A_252 : vector<16x128xbf16>
      %max3A_271 = arith.maximumf %min3A_214, %min3A_252 : vector<16x128xbf16>
      %min3A_272 = arith.minimumf %max3A_229, %max3A_267 : vector<16x128xbf16>
      %max3A_273 = arith.maximumf %max3A_229, %max3A_267 : vector<16x128xbf16>
      %min3A_274 = arith.minimumf %min3A_272, %max3A_271 : vector<16x128xbf16>
      %max3A_275 = arith.maximumf %min3A_272, %max3A_271 : vector<16x128xbf16>
      %min3A_276 = arith.minimumf %max3A_227, %max3A_265 : vector<16x128xbf16>
      %max3A_277 = arith.maximumf %max3A_227, %max3A_265 : vector<16x128xbf16>
      %min3A_278 = arith.minimumf %max3A_231, %max3A_269 : vector<16x128xbf16>
      %max3A_279 = arith.maximumf %max3A_231, %max3A_269 : vector<16x128xbf16>
      %min3A_280 = arith.minimumf %min3A_278, %max3A_277 : vector<16x128xbf16>
      %max3A_281 = arith.maximumf %min3A_278, %max3A_277 : vector<16x128xbf16>
      %min3A_282 = arith.minimumf %min3A_276, %min3A_274 : vector<16x128xbf16>
      %max3A_283 = arith.maximumf %min3A_276, %min3A_274 : vector<16x128xbf16>
      %min3A_284 = arith.minimumf %min3A_280, %max3A_275 : vector<16x128xbf16>
      %max3A_285 = arith.maximumf %min3A_280, %max3A_275 : vector<16x128xbf16>
      %min3A_286 = arith.minimumf %max3A_281, %max3A_273 : vector<16x128xbf16>
      %max3A_287 = arith.maximumf %max3A_281, %max3A_273 : vector<16x128xbf16>
      %min3A_288 = arith.minimumf %min3A_226, %min3A_264 : vector<16x128xbf16>
      %max3A_289 = arith.maximumf %min3A_226, %min3A_264 : vector<16x128xbf16>
      %min3A_290 = arith.minimumf %min3A_230, %min3A_268 : vector<16x128xbf16>
      %max3A_291 = arith.maximumf %min3A_230, %min3A_268 : vector<16x128xbf16>
      %min3A_292 = arith.minimumf %min3A_290, %max3A_289 : vector<16x128xbf16>
      %max3A_293 = arith.maximumf %min3A_290, %max3A_289 : vector<16x128xbf16>
      %min3A_294 = arith.minimumf %min3A_228, %min3A_266 : vector<16x128xbf16>
      %max3A_295 = arith.maximumf %min3A_228, %min3A_266 : vector<16x128xbf16>
      %min3A_296 = arith.minimumf %max3A_223, %max3A_261 : vector<16x128xbf16>
      %max3A_297 = arith.maximumf %max3A_223, %max3A_261 : vector<16x128xbf16>
      %min3A_298 = arith.minimumf %min3A_296, %max3A_295 : vector<16x128xbf16>
      %max3A_299 = arith.maximumf %min3A_296, %max3A_295 : vector<16x128xbf16>
      %min3A_300 = arith.minimumf %min3A_294, %min3A_292 : vector<16x128xbf16>
      %max3A_301 = arith.maximumf %min3A_294, %min3A_292 : vector<16x128xbf16>
      %min3A_302 = arith.minimumf %min3A_298, %max3A_293 : vector<16x128xbf16>
      %max3A_303 = arith.maximumf %min3A_298, %max3A_293 : vector<16x128xbf16>
      %min3A_304 = arith.minimumf %max3A_299, %max3A_291 : vector<16x128xbf16>
      %max3A_305 = arith.maximumf %max3A_299, %max3A_291 : vector<16x128xbf16>
      %min3A_306 = arith.minimumf %min3A_288, %min3A_282 : vector<16x128xbf16>
      %max3A_307 = arith.maximumf %min3A_288, %min3A_282 : vector<16x128xbf16>
      %min3A_308 = arith.minimumf %min3A_300, %max3A_283 : vector<16x128xbf16>
      %max3A_309 = arith.maximumf %min3A_300, %max3A_283 : vector<16x128xbf16>
      %min3A_310 = arith.minimumf %max3A_301, %min3A_284 : vector<16x128xbf16>
      %max3A_311 = arith.maximumf %max3A_301, %min3A_284 : vector<16x128xbf16>
      %min3A_312 = arith.minimumf %min3A_302, %max3A_285 : vector<16x128xbf16>
      %max3A_313 = arith.maximumf %min3A_302, %max3A_285 : vector<16x128xbf16>
      %min3A_314 = arith.minimumf %max3A_303, %min3A_286 : vector<16x128xbf16>
      %max3A_315 = arith.maximumf %max3A_303, %min3A_286 : vector<16x128xbf16>
      %min3A_316 = arith.minimumf %min3A_304, %max3A_287 : vector<16x128xbf16>
      %max3A_317 = arith.maximumf %min3A_304, %max3A_287 : vector<16x128xbf16>
      %min3A_318 = arith.minimumf %max3A_305, %max3A_279 : vector<16x128xbf16>
      %max3A_319 = arith.maximumf %max3A_305, %max3A_279 : vector<16x128xbf16>
      %min3A_320 = arith.minimumf %convert_element_type3A_105, %convert_element_type3A_111 : vector<16x128xbf16>
      %max3A_321 = arith.maximumf %convert_element_type3A_105, %convert_element_type3A_111 : vector<16x128xbf16>
      %min3A_322 = arith.minimumf %convert_element_type3A_117, %convert_element_type3A_123 : vector<16x128xbf16>
      %max3A_323 = arith.maximumf %convert_element_type3A_117, %convert_element_type3A_123 : vector<16x128xbf16>
      %min3A_324 = arith.minimumf %min3A_320, %min3A_322 : vector<16x128xbf16>
      %max3A_325 = arith.maximumf %min3A_320, %min3A_322 : vector<16x128xbf16>
      %min3A_326 = arith.minimumf %max3A_321, %max3A_323 : vector<16x128xbf16>
      %max3A_327 = arith.maximumf %max3A_321, %max3A_323 : vector<16x128xbf16>
      %min3A_328 = arith.minimumf %min3A_326, %max3A_325 : vector<16x128xbf16>
      %max3A_329 = arith.maximumf %min3A_326, %max3A_325 : vector<16x128xbf16>
      %min3A_330 = arith.minimumf %convert_element_type3A_129, %convert_element_type3A_135 : vector<16x128xbf16>
      %max3A_331 = arith.maximumf %convert_element_type3A_129, %convert_element_type3A_135 : vector<16x128xbf16>
      %min3A_332 = arith.minimumf %convert_element_type3A_141, %convert_element_type3A_147 : vector<16x128xbf16>
      %max3A_333 = arith.maximumf %convert_element_type3A_141, %convert_element_type3A_147 : vector<16x128xbf16>
      %min3A_334 = arith.minimumf %min3A_330, %min3A_332 : vector<16x128xbf16>
      %max3A_335 = arith.maximumf %min3A_330, %min3A_332 : vector<16x128xbf16>
      %min3A_336 = arith.minimumf %max3A_331, %max3A_333 : vector<16x128xbf16>
      %max3A_337 = arith.maximumf %max3A_331, %max3A_333 : vector<16x128xbf16>
      %min3A_338 = arith.minimumf %min3A_336, %max3A_335 : vector<16x128xbf16>
      %max3A_339 = arith.maximumf %min3A_336, %max3A_335 : vector<16x128xbf16>
      %min3A_340 = arith.minimumf %min3A_324, %min3A_334 : vector<16x128xbf16>
      %max3A_341 = arith.maximumf %min3A_324, %min3A_334 : vector<16x128xbf16>
      %min3A_342 = arith.minimumf %max3A_329, %max3A_339 : vector<16x128xbf16>
      %max3A_343 = arith.maximumf %max3A_329, %max3A_339 : vector<16x128xbf16>
      %min3A_344 = arith.minimumf %min3A_342, %max3A_341 : vector<16x128xbf16>
      %max3A_345 = arith.maximumf %min3A_342, %max3A_341 : vector<16x128xbf16>
      %min3A_346 = arith.minimumf %min3A_328, %min3A_338 : vector<16x128xbf16>
      %max3A_347 = arith.maximumf %min3A_328, %min3A_338 : vector<16x128xbf16>
      %min3A_348 = arith.minimumf %max3A_327, %max3A_337 : vector<16x128xbf16>
      %max3A_349 = arith.maximumf %max3A_327, %max3A_337 : vector<16x128xbf16>
      %min3A_350 = arith.minimumf %min3A_348, %max3A_347 : vector<16x128xbf16>
      %max3A_351 = arith.maximumf %min3A_348, %max3A_347 : vector<16x128xbf16>
      %min3A_352 = arith.minimumf %min3A_346, %min3A_344 : vector<16x128xbf16>
      %max3A_353 = arith.maximumf %min3A_346, %min3A_344 : vector<16x128xbf16>
      %min3A_354 = arith.minimumf %min3A_350, %max3A_345 : vector<16x128xbf16>
      %max3A_355 = arith.maximumf %min3A_350, %max3A_345 : vector<16x128xbf16>
      %min3A_356 = arith.minimumf %max3A_351, %max3A_343 : vector<16x128xbf16>
      %max3A_357 = arith.maximumf %max3A_351, %max3A_343 : vector<16x128xbf16>
      %min3A_358 = arith.minimumf %convert_element_type3A_153, %convert_element_type3A_159 : vector<16x128xbf16>
      %max3A_359 = arith.maximumf %convert_element_type3A_153, %convert_element_type3A_159 : vector<16x128xbf16>
      %min3A_360 = arith.minimumf %convert_element_type3A_165, %convert_element_type3A_171 : vector<16x128xbf16>
      %max3A_361 = arith.maximumf %convert_element_type3A_165, %convert_element_type3A_171 : vector<16x128xbf16>
      %min3A_362 = arith.minimumf %min3A_358, %min3A_360 : vector<16x128xbf16>
      %max3A_363 = arith.maximumf %min3A_358, %min3A_360 : vector<16x128xbf16>
      %min3A_364 = arith.minimumf %max3A_359, %max3A_361 : vector<16x128xbf16>
      %max3A_365 = arith.maximumf %max3A_359, %max3A_361 : vector<16x128xbf16>
      %min3A_366 = arith.minimumf %min3A_364, %max3A_363 : vector<16x128xbf16>
      %max3A_367 = arith.maximumf %min3A_364, %max3A_363 : vector<16x128xbf16>
      %min3A_368 = arith.minimumf %convert_element_type3A_177, %convert_element_type3A_183 : vector<16x128xbf16>
      %max3A_369 = arith.maximumf %convert_element_type3A_177, %convert_element_type3A_183 : vector<16x128xbf16>
      %min3A_370 = arith.minimumf %convert_element_type3A_189, %convert_element_type3A_195 : vector<16x128xbf16>
      %max3A_371 = arith.maximumf %convert_element_type3A_189, %convert_element_type3A_195 : vector<16x128xbf16>
      %min3A_372 = arith.minimumf %min3A_368, %min3A_370 : vector<16x128xbf16>
      %max3A_373 = arith.maximumf %min3A_368, %min3A_370 : vector<16x128xbf16>
      %min3A_374 = arith.minimumf %max3A_369, %max3A_371 : vector<16x128xbf16>
      %max3A_375 = arith.maximumf %max3A_369, %max3A_371 : vector<16x128xbf16>
      %min3A_376 = arith.minimumf %min3A_374, %max3A_373 : vector<16x128xbf16>
      %max3A_377 = arith.maximumf %min3A_374, %max3A_373 : vector<16x128xbf16>
      %min3A_378 = arith.minimumf %min3A_362, %min3A_372 : vector<16x128xbf16>
      %max3A_379 = arith.maximumf %min3A_362, %min3A_372 : vector<16x128xbf16>
      %min3A_380 = arith.minimumf %max3A_367, %max3A_377 : vector<16x128xbf16>
      %max3A_381 = arith.maximumf %max3A_367, %max3A_377 : vector<16x128xbf16>
      %min3A_382 = arith.minimumf %min3A_380, %max3A_379 : vector<16x128xbf16>
      %max3A_383 = arith.maximumf %min3A_380, %max3A_379 : vector<16x128xbf16>
      %min3A_384 = arith.minimumf %min3A_366, %min3A_376 : vector<16x128xbf16>
      %max3A_385 = arith.maximumf %min3A_366, %min3A_376 : vector<16x128xbf16>
      %min3A_386 = arith.minimumf %max3A_365, %max3A_375 : vector<16x128xbf16>
      %max3A_387 = arith.maximumf %max3A_365, %max3A_375 : vector<16x128xbf16>
      %min3A_388 = arith.minimumf %min3A_386, %max3A_385 : vector<16x128xbf16>
      %max3A_389 = arith.maximumf %min3A_386, %max3A_385 : vector<16x128xbf16>
      %min3A_390 = arith.minimumf %min3A_384, %min3A_382 : vector<16x128xbf16>
      %max3A_391 = arith.maximumf %min3A_384, %min3A_382 : vector<16x128xbf16>
      %min3A_392 = arith.minimumf %min3A_388, %max3A_383 : vector<16x128xbf16>
      %max3A_393 = arith.maximumf %min3A_388, %max3A_383 : vector<16x128xbf16>
      %min3A_394 = arith.minimumf %max3A_389, %max3A_381 : vector<16x128xbf16>
      %max3A_395 = arith.maximumf %max3A_389, %max3A_381 : vector<16x128xbf16>
      %min3A_396 = arith.minimumf %min3A_340, %min3A_378 : vector<16x128xbf16>
      %max3A_397 = arith.maximumf %min3A_340, %min3A_378 : vector<16x128xbf16>
      %min3A_398 = arith.minimumf %max3A_355, %max3A_393 : vector<16x128xbf16>
      %max3A_399 = arith.maximumf %max3A_355, %max3A_393 : vector<16x128xbf16>
      %min3A_400 = arith.minimumf %min3A_398, %max3A_397 : vector<16x128xbf16>
      %max3A_401 = arith.maximumf %min3A_398, %max3A_397 : vector<16x128xbf16>
      %min3A_402 = arith.minimumf %max3A_353, %max3A_391 : vector<16x128xbf16>
      %max3A_403 = arith.maximumf %max3A_353, %max3A_391 : vector<16x128xbf16>
      %min3A_404 = arith.minimumf %max3A_357, %max3A_395 : vector<16x128xbf16>
      %max3A_405 = arith.maximumf %max3A_357, %max3A_395 : vector<16x128xbf16>
      %min3A_406 = arith.minimumf %min3A_404, %max3A_403 : vector<16x128xbf16>
      %max3A_407 = arith.maximumf %min3A_404, %max3A_403 : vector<16x128xbf16>
      %min3A_408 = arith.minimumf %min3A_402, %min3A_400 : vector<16x128xbf16>
      %max3A_409 = arith.maximumf %min3A_402, %min3A_400 : vector<16x128xbf16>
      %min3A_410 = arith.minimumf %min3A_406, %max3A_401 : vector<16x128xbf16>
      %max3A_411 = arith.maximumf %min3A_406, %max3A_401 : vector<16x128xbf16>
      %min3A_412 = arith.minimumf %max3A_407, %max3A_399 : vector<16x128xbf16>
      %max3A_413 = arith.maximumf %max3A_407, %max3A_399 : vector<16x128xbf16>
      %min3A_414 = arith.minimumf %min3A_352, %min3A_390 : vector<16x128xbf16>
      %max3A_415 = arith.maximumf %min3A_352, %min3A_390 : vector<16x128xbf16>
      %min3A_416 = arith.minimumf %min3A_356, %min3A_394 : vector<16x128xbf16>
      %max3A_417 = arith.maximumf %min3A_356, %min3A_394 : vector<16x128xbf16>
      %min3A_418 = arith.minimumf %min3A_416, %max3A_415 : vector<16x128xbf16>
      %max3A_419 = arith.maximumf %min3A_416, %max3A_415 : vector<16x128xbf16>
      %min3A_420 = arith.minimumf %min3A_354, %min3A_392 : vector<16x128xbf16>
      %max3A_421 = arith.maximumf %min3A_354, %min3A_392 : vector<16x128xbf16>
      %min3A_422 = arith.minimumf %max3A_349, %max3A_387 : vector<16x128xbf16>
      %max3A_423 = arith.maximumf %max3A_349, %max3A_387 : vector<16x128xbf16>
      %min3A_424 = arith.minimumf %min3A_422, %max3A_421 : vector<16x128xbf16>
      %max3A_425 = arith.maximumf %min3A_422, %max3A_421 : vector<16x128xbf16>
      %min3A_426 = arith.minimumf %min3A_420, %min3A_418 : vector<16x128xbf16>
      %max3A_427 = arith.maximumf %min3A_420, %min3A_418 : vector<16x128xbf16>
      %min3A_428 = arith.minimumf %min3A_424, %max3A_419 : vector<16x128xbf16>
      %max3A_429 = arith.maximumf %min3A_424, %max3A_419 : vector<16x128xbf16>
      %min3A_430 = arith.minimumf %max3A_425, %max3A_417 : vector<16x128xbf16>
      %max3A_431 = arith.maximumf %max3A_425, %max3A_417 : vector<16x128xbf16>
      %min3A_432 = arith.minimumf %min3A_414, %min3A_408 : vector<16x128xbf16>
      %max3A_433 = arith.maximumf %min3A_414, %min3A_408 : vector<16x128xbf16>
      %min3A_434 = arith.minimumf %min3A_426, %max3A_409 : vector<16x128xbf16>
      %max3A_435 = arith.maximumf %min3A_426, %max3A_409 : vector<16x128xbf16>
      %min3A_436 = arith.minimumf %max3A_427, %min3A_410 : vector<16x128xbf16>
      %max3A_437 = arith.maximumf %max3A_427, %min3A_410 : vector<16x128xbf16>
      %min3A_438 = arith.minimumf %min3A_428, %max3A_411 : vector<16x128xbf16>
      %max3A_439 = arith.maximumf %min3A_428, %max3A_411 : vector<16x128xbf16>
      %min3A_440 = arith.minimumf %max3A_429, %min3A_412 : vector<16x128xbf16>
      %max3A_441 = arith.maximumf %max3A_429, %min3A_412 : vector<16x128xbf16>
      %min3A_442 = arith.minimumf %min3A_430, %max3A_413 : vector<16x128xbf16>
      %max3A_443 = arith.maximumf %min3A_430, %max3A_413 : vector<16x128xbf16>
      %min3A_444 = arith.minimumf %max3A_431, %max3A_405 : vector<16x128xbf16>
      %max3A_445 = arith.maximumf %max3A_431, %max3A_405 : vector<16x128xbf16>
      %min3A_446 = arith.minimumf %min3A_270, %max3A_423 : vector<16x128xbf16>
      %min3A_447 = arith.minimumf %min3A_306, %max3A_445 : vector<16x128xbf16>
      %min3A_448 = arith.minimumf %max3A_307, %min3A_444 : vector<16x128xbf16>
      %min3A_449 = arith.minimumf %min3A_308, %max3A_443 : vector<16x128xbf16>
      %min3A_450 = arith.minimumf %max3A_309, %min3A_442 : vector<16x128xbf16>
      %min3A_451 = arith.minimumf %min3A_310, %max3A_441 : vector<16x128xbf16>
      %min3A_452 = arith.minimumf %max3A_311, %min3A_440 : vector<16x128xbf16>
      %min3A_453 = arith.minimumf %min3A_312, %max3A_439 : vector<16x128xbf16>
      %min3A_454 = arith.minimumf %max3A_313, %min3A_438 : vector<16x128xbf16>
      %min3A_455 = arith.minimumf %min3A_314, %max3A_437 : vector<16x128xbf16>
      %min3A_456 = arith.minimumf %max3A_315, %min3A_436 : vector<16x128xbf16>
      %min3A_457 = arith.minimumf %min3A_316, %max3A_435 : vector<16x128xbf16>
      %min3A_458 = arith.minimumf %max3A_317, %min3A_434 : vector<16x128xbf16>
      %min3A_459 = arith.minimumf %min3A_318, %max3A_433 : vector<16x128xbf16>
      %min3A_460 = arith.minimumf %max3A_319, %min3A_432 : vector<16x128xbf16>
      %min3A_461 = arith.minimumf %max3A_297, %min3A_396 : vector<16x128xbf16>
      %max3A_462 = arith.maximumf %min3A_446, %min3A_447 : vector<16x128xbf16>
      %max3A_463 = arith.maximumf %min3A_448, %min3A_449 : vector<16x128xbf16>
      %max3A_464 = arith.maximumf %min3A_450, %min3A_451 : vector<16x128xbf16>
      %max3A_465 = arith.maximumf %min3A_452, %min3A_453 : vector<16x128xbf16>
      %max3A_466 = arith.maximumf %min3A_454, %min3A_455 : vector<16x128xbf16>
      %max3A_467 = arith.maximumf %min3A_456, %min3A_457 : vector<16x128xbf16>
      %max3A_468 = arith.maximumf %min3A_458, %min3A_459 : vector<16x128xbf16>
      %max3A_469 = arith.maximumf %min3A_460, %min3A_461 : vector<16x128xbf16>
      %max3A_470 = arith.maximumf %max3A_462, %max3A_463 : vector<16x128xbf16>
      %max3A_471 = arith.maximumf %max3A_464, %max3A_465 : vector<16x128xbf16>
      %max3A_472 = arith.maximumf %max3A_466, %max3A_467 : vector<16x128xbf16>
      %max3A_473 = arith.maximumf %max3A_468, %max3A_469 : vector<16x128xbf16>
      %max3A_474 = arith.maximumf %max3A_470, %max3A_471 : vector<16x128xbf16>
      %max3A_475 = arith.maximumf %max3A_472, %max3A_473 : vector<16x128xbf16>
      %max3A_476 = arith.maximumf %max3A_474, %max3A_475 : vector<16x128xbf16>
      %convert_element_type3A_477 = arith.extf %max3A_476 : vector<16x128xbf16> to vector<16x128xf32>
      %swap3A = arith.index_cast %mul3A_5 : i32 to index
      %swap3A_478 = arith.constant 0 : index
      %swap3A_479 = vector.load %arg2[%swap3A, %swap3A_478] : memref<400x128xf32, #tpu.memory_space<vmem>>, vector<16x128xf32>
      tpu.vector_store %arg2[%swap3A, %swap3A_478], %convert_element_type3A_477 {strides = array<i32>} : memref<400x128xf32, #tpu.memory_space<vmem>>, vector<16x128xf32>,
    }
    %scan3A_3 = arith.constant 25 : i32
    return
  }
  func.func @transform_0(%arg0: i32) -> (i32, i32, i32) {
    %c0_i32 = arith.constant 0 : i32
    %c0_i32_0 = arith.constant 0 : i32
    %c0_i32_1 = arith.constant 0 : i32
    return %c0_i32, %arg0, %c0_i32_0 : i32, i32, i32
  }
  func.func @transform_1(%arg0: i32) -> (i32, i32) {
    %c0_i32 = arith.constant 0 : i32
    %c0_i32_0 = arith.constant 0 : i32
    return %arg0, %c0_i32 : i32, i32
  }
}

</mosaic_0001>

<sc_bundles>
// kernel: kernel.5.cloned.1.call-start
scs
__scs_entry_jumppad:
0x0: {  	(pc) =	sbr.rel $0x88, $3  }
0x1: {  	(tag) =	ssettag $0x0;
	lr =	simm.s32 $0x1  }
0x2: {  	[smem:$0x3F9E] =	sst lr;
	_ =	strace $0xD0000000  }
0x3: {  	_ = 	snop  }
0x4: {  	_ = 	snop  }
0x5: {  	_ = 	snop  }
0x6: {  	_ = 	snop  }
0x7: {  	_ = 	snop  }
__scs_overlays_trampoline_lowered:
0x8: {  	[smem:$0x3FAD] =	sst s0  }
0x9: {  	[smem:$0x3FAE] =	sst s1  }
0xa: {  	[smem:$0x3FAF] =	sst s2  }
0xb: {  	[smem:$0x3FB0] =	sst s3  }
0xc: {  	[smem:$0x3FB1] =	sst s4  }
0xd: {  	[smem:$0x3FB2] =	sst s5  }
0xe: {  	[smem:$0x3FB3] =	sst s6  }
0xf: {  	[smem:$0x3FB4] =	sst s7  }
0x10: {  	[smem:$0x3FB5] =	sst s8  }
0x11: {  	[smem:$0x3FB6] =	sst s9;
	s0 =	simm.s32 @!p0 $0x0  }
0x12: {  	s1 =	sld [smem:$0x3F9C];
	s0 =	simm.s32 @p0 $0x1  }
0x13: {  	[smem:$0x3FB7] =	sst s0;
	s0 =	simm.s32 @!p1 $0x0  }
0x14: {  	s2 =	sld [smem:$0x3F9B];
	s0 =	simm.s32 @p1 $0x1  }
0x15: {  	[smem:$0x3FB8] =	sst s0;
	s0 =	simm.s32 @!p2 $0x0  }
0x16: {  	s3 =	sld [smem:$0x3FDB];
	s0 =	simm.s32 @p2 $0x1  }
0x17: {  	s4 =	simm.s32 $0x1BF5;
	[smem:$0x3FBA] =	sst s0  }
0x18: {  	s0 =	sld [smem:$0x3F9D];
	_ =	swait.ge [sflag:s4], $0x0  }
0x19: {  	s7 =	sld [smem:$0x3F9E]  }
0x1a: {  	s8 =	sadd.s32 $0xFFFFE003, lr  }
0x1b: {  	s9 =	sadd.s32 $0xFFFFFEF7, lr;
	s5 =	simm.s32 $0xFFFFFFFF;
	p2 =	slt.u32 s8, $0xFFFFF086  }
0x1c: {  	p1 =	slt.u32 s9, $0xF7A;
	s5 =	simm.s32 @!p2 $0x0  }
0x1d: {  	s5 =	simm.s32 @p1 $0x1;
	p0 =	seq.s32 s7, s2  }
0x1e: {  	s7 =	smul.u32 @!p0 $0xF7A, s2;
	p2 =	seq.s32 @!p0 s5, $0x0  }
0x1f: {  	s9 =	smul.u32 $0xF7A, s1;
	s8 =	simm.s32 @!p0 $0x1BF5;
	p2 =	por !p2, p0  }
0x20: {  	[sflag:s8] =	ssyncset.s32 @!p0 $0xFFFFF086;
	s6 =	sadd.s32 @!p0 s3, s7;
	s7 =	simm.s32 @!p0 $0x108  }
0x21: {  	s3 =	sadd.s32 s3, s9;
	s6 =	sadd.s32 @!p0 $0x88, s6;
	s7 =	simm.s32 @p2 $0x1082  }
0x22: {  	[simem:s7], [sflag:s8] =	dma.local @!p0 [hbm:s6], $0xF7A  }
0x23: {  	s9 =	sor.u32 $0xD0000000, s2;
	s6 =	simm.s32 $0x108;
	_ =	swait.ge @!p0 [sflag:s8], $0x0  }
0x24: {  	s3 =	sadd.s32 $0x88, s3;
	s6 =	simm.s32 @!p1 $0x1082;
	[sflag:s4] =	ssyncset.s32 $0xFFFFF086  }
0x25: {  	[simem:s6], [sflag:s4] =	dma.local [hbm:s3], $0xF7A  }
0x26: {  	[smem:$0x3F9E] =	sst s1;
	(tag) =	ssettag s2;
	_ =	strace s9  }
0x27: {  	s1 =	sld [smem:$0x3FAE]  }
0x28: {  	s2 =	sld [smem:$0x3FAF]  }
0x29: {  	s4 =	sld [smem:$0x3FB1]  }
0x2a: {  	p0 =	seq.s32 s5, $0x0;
	s5 =	sld [smem:$0x3FB2]  }
0x2b: {  	s6 =	sld [smem:$0x3FB3]  }
0x2c: {  	s7 =	sld [smem:$0x3FB4]  }
0x2d: {  	s3 =	simm.s32 $0x108;
	s8 =	sld [smem:$0x3FB5]  }
0x2e: {  	s3 =	simm.s32 @!p0 $0x1082;
	s9 =	sld [smem:$0x3FB6]  }
0x2f: {  	lr =	sadd.s32 s0, s3;
	s0 =	sld [smem:$0x3FAD]  }
0x30: {  	s3 =	sld [smem:$0x3FB0]  }
0x31: {  	[smem:$0x3FB9] =	sst s10  }
0x32: {  	s10 =	sld [smem:$0x3FB7];
	_ =	sdelay $0x3  }
0x33: {  	p0 =	seq.s32 s10, $0x1;
	s10 =	sld [smem:$0x3FB9];
	_ =	sdelay $0x3  }
0x34: {  	[smem:$0x3FB9] =	sst s10  }
0x35: {  	s10 =	sld [smem:$0x3FB8];
	_ =	sdelay $0x3  }
0x36: {  	p1 =	seq.s32 s10, $0x1;
	s10 =	sld [smem:$0x3FB9];
	_ =	sdelay $0x3  }
0x37: {  	[smem:$0x3FB9] =	sst s10  }
0x38: {  	s10 =	sld [smem:$0x3FBA]  }
0x39: {  	_ = 	snop;
	(pc) =	sbr.ind lr, $3  }
0x3a: {  	_ = 	snop  }
0x3b: {  	_ = 	snop  }
0x3c: {  	p2 =	seq.s32 s10, $0x1;
	s10 =	sld [smem:$0x3FB9]  }
0x3d: {  	_ =	shalt  }
0x3e: {  	_ =	shalt  }
0x3f: {  	_ =	shalt  }
0x40: {  	_ =	shalt  }
0x41: {  	_ =	shalt  }
0x42: {  	_ =	shalt  }
0x43: {  	_ =	shalt  }
0x44: {  	_ =	shalt  }
0x45: {  	_ =	shalt  }
0x46: {  	_ =	shalt  }
0x47: {  	_ =	shalt  }
0x48: {  	_ =	shalt  }
0x49: {  	_ =	shalt  }
0x4a: {  	_ =	shalt  }
0x4b: {  	_ =	shalt  }
0x4c: {  	_ =	shalt  }
0x4d: {  	_ =	shalt  }
0x4e: {  	_ =	shalt  }
0x4f: {  	_ =	shalt  }
0x50: {  	_ =	shalt  }
0x51: {  	_ =	shalt  }
0x52: {  	_ =	shalt  }
0x53: {  	_ =	shalt  }
0x54: {  	_ =	shalt  }
0x55: {  	_ =	shalt  }
0x56: {  	_ =	shalt  }
0x57: {  	_ =	shalt  }
0x58: {  	_ =	shalt  }
0x59: {  	_ =	shalt  }
0x5a: {  	_ =	shalt  }
0x5b: {  	_ =	shalt  }
0x5c: {  	_ =	shalt  }
0x5d: {  	_ =	shalt  }
0x5e: {  	_ =	shalt  }
0x5f: {  	_ =	shalt  }
0x60: {  	_ =	shalt  }
0x61: {  	_ =	shalt  }
0x62: {  	_ =	shalt  }
0x63: {  	_ =	shalt  }
0x64: {  	_ =	shalt  }
0x65: {  	_ =	shalt  }
0x66: {  	_ =	shalt  }
0x67: {  	_ =	shalt  }
0x68: {  	_ =	shalt  }
0x69: {  	_ =	shalt  }
0x6a: {  	_ =	shalt  }
0x6b: {  	_ =	shalt  }
0x6c: {  	_ =	shalt  }
0x6d: {  	_ =	shalt  }
0x6e: {  	_ =	shalt  }
0x6f: {  	_ =	shalt  }
0x70: {  	_ =	shalt  }
0x71: {  	_ =	shalt  }
0x72: {  	_ =	shalt  }
0x73: {  	_ =	shalt  }
0x74: {  	_ =	shalt  }
0x75: {  	_ =	shalt  }
0x76: {  	_ =	shalt  }
0x77: {  	_ =	shalt  }
0x78: {  	_ =	shalt  }
0x79: {  	_ =	shalt  }
0x7a: {  	_ =	shalt  }
0x7b: {  	_ =	shalt  }
0x7c: {  	_ =	shalt  }
0x7d: {  	_ =	shalt  }
0x7e: {  	_ =	shalt  }
0x7f: {  	_ =	shalt  }
0x80: {  	_ =	shalt  }
0x81: {  	_ =	shalt  }
0x82: {  	_ =	shalt  }
0x83: {  	_ =	shalt  }
0x84: {  	_ =	shalt  }
0x85: {  	_ =	shalt  }
0x86: {  	_ =	shalt  }
0x87: {  	_ =	shalt  }
.Lfunc_end0:
.L_simem_size_0:
called_computation_lowered:
.L_overlay_start_0:
0x88: {  	s2 =	sld [smem:$0x3FD9]  }
0x89: {  	s3 =	sld [smem:$0x3FFE];
	_ =	sdelay $0x1  }
0x8a: {  	s1 =	srdreg.scid  }
0x8b: {  	s0 =	sand.u32 $0x1, s1  }
0x8c: {  	s17 =	sshll.u32 s0, $0xA;
	s2 =	sadd.s32 s3, s2  }
0x8d: {  	s2 =	sadd.s32 s2, s17  }
0x8e: {  	[smem:$0x3FC5] =	sst s2  }
0x8f: {  	_ = 	snop  }
0x90: {  	s2 =	sld [smem:$0x3FC8];
	(tm) =	ssettm $0x1  }
0x91: {  	s18 =	sld [smem:$0x3FFB];
	_ =	sdelay $0x3  }
0x92: {  	_ =	strace s18  }
0x93: {  	s3 =	sld [smem:$0x3FFC];
	_ =	sdelay $0x3  }
0x94: {  	_ =	strace s3  }
0x95: {  	s3 =	sld [smem:$0x3FFD];
	_ =	sdelay $0x3  }
0x96: {  	_ =	strace s3  }
0x97: {  	_ =	strace $0x8FFFFFFF  }
0x98: {  	s19 =	sld [smem:$0x3FDB];
	_ =	sdelay $0x1  }
0x99: {  	s4 =	simm.s32 $_scs_section_size  }
0x9a: {  	s5 =	simm.s32 $_size__tile_overlayer_lowered;
	s6 =	simm.s32 $_tile_overlayer_lowered  }
0x9b: {  	s22 =	simm.s32 $0x1BFF;
	s21 =	sshll.u32 s6, $0x1;
	s3 =	sadd.s32 s4, s19  }
0x9c: {  	s7 =	simm.s32 $0x0;
	s20 =	sshll.u32 s5, $0x1;
	s5 =	sadd.s32 s21, s3  }
0x9d: {  	[timem:s7], [sflag:s22] =	dma.local [hbm:s5], s20  }
0x9e: {  	_ =	swait.ge [sflag:s22], s20  }
0x9f: {  	s4 =	ssub.s32 $0x0, s20;
	[sflag:s22] =	ssyncset.done $0x0  }
0xa0: {  	[sflag:s22] =	ssyncadd.s32 s4;
	_ =	sdelay $0x1  }
0xa1: {  	s23 =	simm.s32 $0x1B8B  }
0xa2: {  	_ =	swait.ge [sflag:s23], $0x1  }
0xa3: {  	[sflag:s23] =	ssyncset.done $0x0  }
0xa4: {  	s25 =	simm.s32 $0x1B8E;
	s24 =	sld [smem:$0x3FFE];
	[sflag:s23] =	ssyncadd.s32 $0xFFFFFFFF  }
0xa5: {  	s26 =	simm.s32 $execute0_lowered;
	[smem:$0x3FD2] =	sst s25  }
0xa6: {  	s5 =	sshll.u32 s26, $0x1;
	_ =	strace $0x80000046;
	[dreg:$0x1] =	wrdreg $0xFFFFFFFF  }
0xa7: {  	s28 =	simm.s32 $_size_execute0_lowered;
	s3 =	sadd.s32 s3, s5;
	[dreg:$0x0] =	wrdreg $0x0  }
0xa8: {  	s5 =	sshll.u32 s28, $0x1;
	[dreg:$0x2] =	wrdreg s3  }
0xa9: {  	[dreg:$0x3] =	wrdreg s5  }
0xaa: {  	[dreg:$0x4] =	wrdreg $0xC0  }
0xab: {  	_ =	task [dreg:s7], $0x5FFFF  }
0xac: {  	[dreg:$0x1] =	wrdreg $0xFFFFFFFF  }
0xad: {  	[dreg:$0x0] =	wrdreg $0x60  }
0xae: {  	[dreg:$0x2] =	wrdreg s24  }
0xaf: {  	[dreg:$0x3] =	wrdreg s2  }
0xb0: {  	[dreg:$0x4] =	wrdreg $0x0  }
0xb1: {  	[dreg:$0x5] =	wrdreg $0x9  }
0xb2: {  	_ =	task.clear_ibuf [dreg:s7], $0x6FFFF;
	_ =	strace $0x90000046  }
0xb3: {  	s29 =	simm.s32 $0x9;
	_ =	strace $0x80000048  }
0xb4: {  	_ =	swait.ge [sflag:s29], $0x1  }
0xb5: {  	[sflag:s29] =	ssyncadd.s32 $0xFFFFFFFF  }
0xb6: {  	_ =	strace $0x90000048  }
0xb7: {  	_ =	sfence  }
0xb8: {  	s30 =	sld [smem:$0x0];
	_ =	sdelay $0x2  }
0xb9: {  	s31 =	sshll.u32 s1, $0xD;
	s1 =	sshrl.u32 s1, $0x2  }
0xba: {  	s3 =	sand.u32 $0x4000, s31;
	s1 =	sadd.s32 s1, s30  }
0xbb: {  	s0 =	sor.u32 s3, s0;
	s1 =	sshll.u32 s1, $0x11  }
0xbc: {  	s0 =	sor.u32 s1, s0  }
0xbd: {  	s0 =	sadd.s32 $0x8F2B, s0  }
0xbe: {  	[sflag:s0] =	ssyncadd.remote.s32 $0x1  }
0xbf: {  	_ =	sfence.sel $0xFFFF  }
0xc0: {  	[dreg:$0x0] =	wrdreg $0xFFFFFFFF;
	(pc) =	sbr.abs _section_cstart, $3  }
0xc1: {  	[dreg:$0x1] =	wrdreg $0xFFFFFFFF  }
0xc2: {  	_ =	task.clear_ibuf [dreg:s7], $0x2FFFF;
	_ =	strace $0x9FFFFFFF  }
0xc3: {  	(tm) =	ssettm $0x7FFFFFFF  }
tec
execute0_lowered:
.L_overlay_start_1:
0x0: {  	(tag) =	ssettag $0x1  }
0x1: {  	s4 =	rddreg [dreg:$0x0]  }
0x2: {  	s6 =	rddreg [dreg:$0x1]  }
0x3: {  	s2 =	rddreg [dreg:$0x2]  }
0x4: {  	s0 =	rddreg [dreg:$0x3]  }
0x5: {  	s3 =	simm.s32 $0x0;
	s1 =	stileid.u32;
	s7 =	srdreg.scid  }
0x6: {  	s15 =	simm.s32 $0x50;
	s16 =	simm.s32 $0x16780;
	s17 =	simm.s32 $0x2  }
0x7: {  	s18 =	simm.s32 $0x18F80;
	s19 =	simm.s32 $0x4;
	s20 =	simm.s32 $0x3  }
0x8: {  	s21 =	simm.s32 $0x0;
	[smem:$0x7FF] =	sst s3;
	s5 =	smul.u32 $0x2800, s1  }
0x9: {  	s7 =	sand.u32 $0x1, s7;
	s8 =	smul.u32 $0x50000, s1;
	s9 =	sadd.s32 $0x28A00, s4  }
0xa: {  	s29 =	sshll.u32 s1, $0x7;
	s13 =	sshll.u32 s1, $0x6;
	s30 =	smul.u32 $0x27100, s1  }
0xb: {  	_ =	strace $0x80000047;
	s26 =	ssub.s32 $0x2, s7;
	s10 =	sshll.u32 s7, $0x4  }
0xc: {  	s14 =	sand.u32 $0x380, s29;
	s7 =	smul.u32 $0x271000, s7;
	s5 =	sadd.s32 s5, s4  }
0xd: {  	s11 =	sshrl.u32 s26, $0x1;
	s10 =	sor.u32 s1, s10;
	s8 =	sshrl.u32 s8, $0x2  }
0xe: {  	s11 =	ssub.s32 s26, s11;
	s28 =	sshrl.u32 s10, $0x3;
	s10 =	smul.u32 $0x138800, s10  }
0xf: {  	s12 =	sadd.s32 s8, s2;
	s4 =	sadd.s32 $0xA00, s5;
	s8 =	smul.u32 $0x13C00, s28  }
0x10: {  	s5 =	sor.u32 $0x1C01, s13;
	s13 =	simm.s32 $0x400;
	s10 =	sshrl.u32 s10, $0x3  }
0x11: {  	s8 =	sor.u32 s14, s8;
	s31 =	sadd.s32 s9, s10;
	s9 =	sadd.s32 s7, s9  }
0x12: {  	s10 =	sshrl.u32 s12, $0x3;
	s12 =	simm.s32 $0x80;
	s14 =	simm.s32 $0x14000  }
0x13: {  	s8 =	sshrl.u32 s8, $0x3;
	s7 =	sadd.s32 $0x26C00, s31;
	s9 =	sadd.s32 s30, s9  }
0x14: {  	s6 =	sadd.s32 s6, s8;
	s8 =	smax.u32 s11, $0x1;
	s11 =	simm.s32 $0x1  }
.LBB2_1:
0x15: {  	[spmem:s10], [sflag:s5] =	dma.local [hbm:s4], $0x2800  }
0x16: {  	_ =	swait.ge [sflag:s11], $0x2800  }
0x17: {  	[sflag:s11] =	ssyncset.done $0x0  }
0x18: {  	[sflag:s11] =	ssyncadd.s32 $0xFFFFD800  }
0x19: {  	[bflag:$0x0] =	sbarrier.arrive $0xFFFF  }
0x1a: {  	[tilespmem:s14], [sflag:$0x1] =	stream.strided.gather [hbm4b:s6+s12], $0x2780, s13, s12, $0x38;
	[tilespmem:$0x1B780] =	vst v63  }
0x1b: {  	_ =	swait.ge [sflag:s11], $0x2780  }
0x1c: {  	[sflag:s11] =	ssyncset.done $0x0  }
0x1d: {  	[sflag:s11] =	ssyncadd.s32 $0xFFFFD880  }
0x1e: {  	[tilespmem:s16], [sflag:$0x2] =	stream.indirect.gather [spmem:s2], $0x80, s14, s15, $0xb8;
	[tilespmem:$0x1B780] =	vst v63  }
0x1f: {  	_ =	swait.ge [sflag:s17], $0x2800  }
0x20: {  	[sflag:s17] =	ssyncset.done $0x0  }
0x21: {  	s22 =	simm.s32 $0x14050;
	[sflag:s17] =	ssyncadd.s32 $0xFFFFD800  }
0x22: {  	[tilespmem:s18], [sflag:$0x3] =	stream.indirect.gather [spmem:s2], $0x80, s22, s15, $0xb8;
	[tilespmem:$0x1B780] =	vst v63  }
0x23: {  	s23 =	sadd.s32 $0x0, s9  }
0x24: {  	[hbm4b:s23+s3] =	stream.linear.scatter [tilespmem:s16], [sflag:$0x4], $0x2800, $0x38;
	[tilespmem:$0x1B780] =	vst v63  }
0x25: {  	_ =	swait.ge [sflag:s19], $0x2800  }
0x26: {  	[sflag:s19] =	ssyncset.done $0x0  }
0x27: {  	[sflag:s19] =	ssyncadd.s32 $0xFFFFD800  }
0x28: {  	_ =	swait.ge [sflag:s20], $0x2800  }
0x29: {  	[sflag:s20] =	ssyncset.done $0x0  }
0x2a: {  	s24 =	simm.s32 $0x140A0;
	[sflag:s20] =	ssyncadd.s32 $0xFFFFD800  }
0x2b: {  	[tilespmem:s16], [sflag:$0x2] =	stream.indirect.gather [spmem:s2], $0x80, s24, s15, $0xb8;
	[tilespmem:$0x1B780] =	vst v63  }
0x2c: {  	s23 =	sadd.s32 $0x500, s23  }
0x2d: {  	[hbm4b:s23+s3] =	stream.linear.scatter [tilespmem:s18], [sflag:$0x4], $0x2800, $0x38;
	[tilespmem:$0x1B780] =	vst v63  }
0x2e: {  	_ =	swait.ge [sflag:s19], $0x2800  }
0x2f: {  	s23 =	simm.s32 $0xA00;
	[sflag:s19] =	ssyncset.done $0x0  }
.LBB2_2:
0x30: {  	p0 =	sne.s32 s23, $0x26200;
	[sflag:s19] =	ssyncadd.s32 $0xFFFFD800;
	s22 =	sadd.s32 $0xA0, s22  }
0x31: {  	s24 =	smov.u32 s23;
	s23 =	sadd.s32 $0xA00, s23  }
0x32: {  	_ =	swait.ge [sflag:s17], $0x2800  }
0x33: {  	[sflag:s17] =	ssyncset.done $0x0  }
0x34: {  	[sflag:s17] =	ssyncadd.s32 $0xFFFFD800  }
0x35: {  	[tilespmem:s18], [sflag:$0x3] =	stream.indirect.gather [spmem:s2], $0x80, s22, s15, $0xb8;
	[tilespmem:$0x1B780] =	vst v63  }
0x36: {  	s24 =	sadd.s32 s24, s9  }
0x37: {  	[hbm4b:s24+s3] =	stream.linear.scatter [tilespmem:s16], [sflag:$0x4], $0x2800, $0x38;
	[tilespmem:$0x1B780] =	vst v63  }
0x38: {  	_ =	swait.ge [sflag:s19], $0x2800  }
0x39: {  	[sflag:s19] =	ssyncset.done $0x0  }
0x3a: {  	[sflag:s19] =	ssyncadd.s32 $0xFFFFD800  }
0x3b: {  	_ =	swait.ge [sflag:s20], $0x2800  }
0x3c: {  	[sflag:s20] =	ssyncset.done $0x0  }
0x3d: {  	s25 =	sadd.s32 $0x50, s22;
	[sflag:s20] =	ssyncadd.s32 $0xFFFFD800  }
0x3e: {  	[tilespmem:s16], [sflag:$0x2] =	stream.indirect.gather [spmem:s2], $0x80, s25, s15, $0xb8;
	[tilespmem:$0x1B780] =	vst v63  }
.Ltmp0:
0x3f: {  	_ = 	snop;
	(pc) =	sbr.rel @p0 .LBB2_2-.Ltmp0, $4  }
0x40: {  	s24 =	sadd.s32 $0x500, s24  }
0x41: {  	[hbm4b:s24+s3] =	stream.linear.scatter [tilespmem:s18], [sflag:$0x4], $0x2800, $0x38;
	[tilespmem:$0x1B780] =	vst v63  }
0x42: {  	_ =	swait.ge [sflag:s19], $0x2800  }
0x43: {  	[sflag:s19] =	ssyncset.done $0x0  }
0x44: {  	[sflag:s19] =	ssyncadd.s32 $0xFFFFD800  }
0x45: {  	s21 =	sadd.s32 $0x1, s21;
	_ =	swait.ge [sflag:s17], $0x2800  }
0x46: {  	p0 =	sne.s32 s21, s8;
	[sflag:s17] =	ssyncset.done $0x0  }
.Ltmp1:
0x47: {  	[sflag:s17] =	ssyncadd.s32 $0xFFFFD800;
	(pc) =	sbr.rel @p0 .LBB2_1-.Ltmp1, $4  }
0x48: {  	[hbm4b:s7+s3] =	stream.linear.scatter [tilespmem:s16], [sflag:$0x4], $0x2800, $0x38;
	[tilespmem:$0x1B780] =	vst v63  }
0x49: {  	_ =	swait.ge [sflag:s19], $0x2800  }
0x4a: {  	[sflag:s19] =	ssyncset.done $0x0  }
0x4b: {  	[sflag:s19] =	ssyncadd.s32 $0xFFFFD800  }
0x4c: {  	_ =	sfence.sel $0x180000  }
0x4d: {  	[bflag:$0x0] =	sbarrier.arrive $0xFFFF  }
0x4e: {  	p0 =	sne.s32 s1, $0x0;
	_ =	strace $0x90000047  }
0x4f: {  	s0 =	sadd.s32 @!p0 $0x100000, s0;
	[bflag:$0x2] =	sbarrier.arrive $0xFFFF  }
0x50: {  	[sflag:s0] =	ssyncadd.tile.s32 @!p0 $0x1;
	_ =	shalt  }
.Lfunc_end2:
_tile_overlayer_lowered:
.L_overlay_start_2:
0x51: {  	(tag) =	ssettag $0x2  }
0x52: {  	s0 =	rddreg [dreg:$0x0];
	s2 =	stileid.u32  }
0x53: {  	s1 =	rddreg [dreg:$0x1];
	p0 =	sne.s32 s2, $0x0  }
0x54: {  	s3 =	rddreg [dreg:$0x2];
	[bflag:$0x3] =	sbarrier.arrive $0xFFFF;
	s2 =	simm.s32 @!p0 $0x1C04  }
0x55: {  	[timem:s3], [sflag:s2] =	dma.local @!p0 [hbm:s0], s1  }
0x56: {  	s0 =	simm.s32 @!p0 $0x4  }
0x57: {  	_ =	swait.ge @!p0 [sflag:s0], s1  }
0x58: {  	s1 =	ssub.s32 @!p0 $0x0, s1;
	[sflag:s0] =	ssyncset.done @!p0 $0x0  }
0x59: {  	[sflag:s0] =	ssyncadd.s32 @!p0 s1  }
0x5a: {  	[bflag:$0x3] =	sbarrier.arrive $0xFFFF  }
0x5b: {  	_ =	shalt  }

</sc_bundles>
